<compile_context>
chip_gen: v7x
topology: tpu7x:2x2x1
jax: 0.10.2.dev20260603
libtpu: 0.0.44.dev20260713+nightly
codegen_flags: <defaults>
</compile_context>

<pallas_src>
import jax
import jax.numpy as jnp
from jax.experimental import pallas as pl


def _combine_body(gw_ref, ef_ref, eb_ref, wflat_ref, b_ref):
    gates = jax.nn.softmax(gw_ref[...], axis=-1)
    wflat_ref[...] = jax.lax.dot_general(
        gates, ef_ref[...], (((1,), (0,)), ((), ())),
        precision=jax.lax.Precision.HIGHEST,
        preferred_element_type=jnp.float32)
    b_ref[...] = jax.lax.dot_general(
        gates, eb_ref[...], (((1,), (0,)), ((), ())),
        precision=jax.lax.Precision.HIGHEST,
        preferred_element_type=jnp.float32)


def _make_matmul_body(n_channels, in_dim, out_dim):
    def body(x_ref, w_ref, b_ref, out_ref):
        for n in range(n_channels):
            xs = x_ref[:, n * in_dim:(n + 1) * in_dim].astype(jnp.bfloat16)
            acc = jax.lax.dot_general(
                xs, w_ref[n], (((1,), (0,)), ((), ())),
                preferred_element_type=jnp.float32)
            out_ref[:, n * out_dim:(n + 1) * out_dim] = acc + b_ref[n][None, :]
    return body


def kernel(x, gate_weights, experts, expert_biases):
    B, N, I = x.shape
    E, _, O = experts.shape

    experts_flat = experts.reshape(E, I * O)

    wflat, combined_b = pl.pallas_call(
        _combine_body,
        out_shape=[
            jax.ShapeDtypeStruct((N, I * O), jnp.float32),
            jax.ShapeDtypeStruct((N, O), jnp.float32),
        ],
    )(gate_weights, experts_flat, expert_biases)

    combined_w = wflat.reshape(N, I, O).astype(jnp.bfloat16)

    BT = 128
    x2 = x.reshape(B, N * I)
    out2 = pl.pallas_call(
        _make_matmul_body(N, I, O),
        grid=(B // BT,),
        in_specs=[
            pl.BlockSpec((BT, N * I), lambda i: (i, 0)),
            pl.BlockSpec((N, I, O), lambda i: (0, 0, 0)),
            pl.BlockSpec((N, O), lambda i: (0, 0)),
        ],
        out_specs=pl.BlockSpec((BT, N * O), lambda i: (i, 0)),
        out_shape=jax.ShapeDtypeStruct((B, N * O), jnp.float32),
    )(x2, combined_w, combined_b)

    return out2.reshape(B, N, O)

# --- scband reference (transcript-rebuilt; emitter-appended) ---
"""Pipeline reference for scband-he-emb-1786706395652 (READ-ONLY COPY).

The authoritative reference and input builder live on the scoring server;
editing this copy changes nothing except your own understanding.
"""

import jax, jax.numpy as jnp
import numpy as np

N = 100
IN_DIM = 128
OUT_DIM = 128
E = 16
BATCH = 4096

def setup_inputs(seed: int = 0) -> dict:
    key = jax.random.key(seed)
    k1, k2, k3, k4 = jax.random.split(key, 4)
    x = jax.random.normal(k1, (BATCH, N, IN_DIM), dtype=jnp.float32)
    # learned router: gate_weights ~ N(0, 0.01) since use_softmax=True
    gate_weights = jax.random.normal(k2, (N, E), dtype=jnp.float32) * 0.01
    # experts ~ N(0, 0.01)
    experts = jax.random.normal(k3, (E, IN_DIM, OUT_DIM), dtype=jnp.float32) * 0.01
    # grouped_bias=True -> expert_biases init zeros; use small random to make grads nontrivial
    expert_biases = jnp.zeros((E, OUT_DIM), dtype=jnp.float32)
    return {"x": x, "gate_weights": gate_weights, "experts": experts, "expert_biases": expert_biases}

def reference(x, gate_weights, experts, expert_biases):
    # MoEEmb with learned per-channel router and softmax gating (dense mixture of experts).
    # gates: [n, E]
    gates = jax.nn.softmax(gate_weights, axis=-1)
    # per-channel combined weight: [n, input_dim, output_dim]
    combined_w = jnp.einsum('ne,eio->nio', gates, experts)
    # per-channel combined bias (grouped_bias): [n, output_dim]
    combined_b = jnp.einsum('ne,eo->no', gates, expert_biases)
    # per-channel projection: [batch, n, output_dim]
    out = jnp.einsum('bni,nio->bno', x, combined_w) + combined_b[None, :, :]
    return out

if __name__ == "__main__":
    import jax
    _d = setup_inputs()
    print(jax.jit(kernel)(*tuple(_d.values())))

</pallas_src>

<mosaic_0001>
module attributes {stable_mosaic.version = 14 : i64} {
  func.func @_combine_body(%arg0: memref<100x16xf32, #tpu.memory_space<vmem>>, %arg1: memref<16x16384xf32, #tpu.memory_space<vmem>>, %arg2: memref<16x128xf32, #tpu.memory_space<vmem>>, %arg3: memref<100x16384xf32, #tpu.memory_space<vmem>>, %arg4: memref<100x128xf32, #tpu.memory_space<vmem>>) attributes {dimension_semantics = [], scalar_prefetch = 0 : i64, scratch_operands = 0 : i64, tpu.core_type = #tpu.core_type<tc>} {
    %get3A = arith.constant 0 : index
    %get3A_0 = arith.constant 0 : index
    %get3A_1 = vector.load %arg0[%get3A, %get3A_0] : memref<100x16xf32, #tpu.memory_space<vmem>>, vector<100x16xf32>
    %reduce_max3A = arith.constant dense<0xFF800000> : vector<100xf32>
    %reduce_max3A_2 = vector.multi_reduction <maximumf>, %get3A_1, %reduce_max3A [1] : vector<100x16xf32> to vector<100xf32>
    %max3A = arith.constant 0xFF800000 : f32
    %max3A_3 = vector.broadcast %max3A : f32 to vector<100xf32>
    %max3A_4 = arith.maximumf %max3A_3, %reduce_max3A_2 : vector<100xf32>
    %broadcast_in_dim3A = vector.shape_cast %max3A_4 : vector<100xf32> to vector<100x1xf32>
    %sub3A = vector.broadcast %broadcast_in_dim3A : vector<100x1xf32> to vector<100x16xf32>
    %sub3A_5 = arith.subf %get3A_1, %sub3A : vector<100x16xf32>
    %exp3A = math.exp %sub3A_5 : vector<100x16xf32>
    %reduce_sum3A = arith.constant dense<0.000000e+00> : vector<100xf32>
    %reduce_sum3A_6 = vector.multi_reduction <add>, %exp3A, %reduce_sum3A [1] : vector<100x16xf32> to vector<100xf32>
    %broadcast_in_dim3A_7 = vector.shape_cast %reduce_sum3A_6 : vector<100xf32> to vector<100x1xf32>
    %div3A = vector.broadcast %broadcast_in_dim3A_7 : vector<100x1xf32> to vector<100x16xf32>
    %div3A_8 = arith.divf %exp3A, %div3A : vector<100x16xf32>
    %get3A_9 = arith.constant 0 : index
    %get3A_10 = arith.constant 0 : index
    %get3A_11 = vector.load %arg1[%get3A_9, %get3A_10] : memref<16x16384xf32, #tpu.memory_space<vmem>>, vector<16x16384xf32>
    %dot_general3A = arith.constant dense<0.000000e+00> : vector<100x16384xf32>
    %dot_general3A_12 = tpu.matmul %div3A_8, %get3A_11, %dot_general3A {dimension_numbers = #tpu.dot_dimension_numbers<[1], [0], [0], [1], [0, 0, 1, 1], [], []>, precision = #tpu.contract_precision<fp32>, transpose_lhs_hint = false} : vector<100x16xf32>, vector<16x16384xf32>, vector<100x16384xf32> -> vector<100x16384xf32>
    %swap3A = arith.constant 0 : index
    %swap3A_13 = arith.constant 0 : index
    %swap3A_14 = vector.load %arg3[%swap3A, %swap3A_13] : memref<100x16384xf32, #tpu.memory_space<vmem>>, vector<100x16384xf32>
    tpu.vector_store %arg3[%swap3A, %swap3A_13], %dot_general3A_12 {strides = array<i32>} : memref<100x16384xf32, #tpu.memory_space<vmem>>, vector<100x16384xf32>,
    %get3A_15 = arith.constant 0 : index
    %get3A_16 = arith.constant 0 : index
    %get3A_17 = vector.load %arg2[%get3A_15, %get3A_16] : memref<16x128xf32, #tpu.memory_space<vmem>>, vector<16x128xf32>
    %dot_general3A_18 = arith.constant dense<0.000000e+00> : vector<100x128xf32>
    %dot_general3A_19 = tpu.matmul %div3A_8, %get3A_17, %dot_general3A_18 {dimension_numbers = #tpu.dot_dimension_numbers<[1], [0], [0], [1], [0, 0, 1, 1], [], []>, precision = #tpu.contract_precision<fp32>, transpose_lhs_hint = false} : vector<100x16xf32>, vector<16x128xf32>, vector<100x128xf32> -> vector<100x128xf32>
    %swap3A_20 = arith.constant 0 : index
    %swap3A_21 = arith.constant 0 : index
    %swap3A_22 = vector.load %arg4[%swap3A_20, %swap3A_21] : memref<100x128xf32, #tpu.memory_space<vmem>>, vector<100x128xf32>
    tpu.vector_store %arg4[%swap3A_20, %swap3A_21], %dot_general3A_19 {strides = array<i32>} : memref<100x128xf32, #tpu.memory_space<vmem>>, vector<100x128xf32>,
    return
  }
}

module attributes {stable_mosaic.version = 14 : i64} {
  func.func @body(%arg0: i32, %arg1: memref<128x12800xf32, #tpu.memory_space<vmem>>, %arg2: memref<100x128x128xbf16, #tpu.memory_space<vmem>>, %arg3: memref<100x128xf32, #tpu.memory_space<vmem>>, %arg4: memref<128x12800xf32, #tpu.memory_space<vmem>>) attributes {dimension_semantics = [#tpu.dimension_semantics<arbitrary>], iteration_bounds = array<i64: 32>, scalar_prefetch = 0 : i64, scratch_operands = 0 : i64, tpu.core_type = #tpu.core_type<tc>, window_params = [{transform_indices = @transform_0, window_bounds = array<i64: 128, 12800>}, {pipeline_mode = #tpu.pipeline_mode<synchronous>, transform_indices = @transform_1, window_bounds = array<i64: 100, 128, 128>}, {pipeline_mode = #tpu.pipeline_mode<synchronous>, transform_indices = @transform_2, window_bounds = array<i64: 100, 128>}, {transform_indices = @transform_3, window_bounds = array<i64: 128, 12800>}]} {
    %get3A = arith.constant 0 : index
    %get3A_0 = arith.constant 0 : index
    %get3A_1 = vector.load %arg1[%get3A, %get3A_0] : memref<128x12800xf32, #tpu.memory_space<vmem>>, vector<128x128xf32>
    %convert_element_type3A = arith.truncf %get3A_1 : vector<128x128xf32> to vector<128x128xbf16>
    %get3A_2 = arith.constant 0 : index
    %get3A_3 = arith.constant 0 : index
    %get3A_4 = arith.constant 0 : index
    %get3A_5 = vector.load %arg2[%get3A_2, %get3A_3, %get3A_4] : memref<100x128x128xbf16, #tpu.memory_space<vmem>>, vector<1x128x128xbf16>
    %get3A_6 = vector.shape_cast %get3A_5 : vector<1x128x128xbf16> to vector<128x128xbf16>
    %dot_general3A = arith.constant dense<0.000000e+00> : vector<128x128xf32>
    %dot_general3A_7 = tpu.matmul %convert_element_type3A, %get3A_6, %dot_general3A {dimension_numbers = #tpu.dot_dimension_numbers<[1], [0], [0], [1], [0, 0, 1, 1], [], []>, transpose_lhs_hint = false} : vector<128x128xbf16>, vector<128x128xbf16>, vector<128x128xf32> -> vector<128x128xf32>
    %get3A_8 = arith.constant 0 : index
    %get3A_9 = arith.constant 0 : index
    %get3A_10 = vector.load %arg3[%get3A_8, %get3A_9] : memref<100x128xf32, #tpu.memory_space<vmem>>, vector<1x128xf32>
    %get3A_11 = vector.shape_cast %get3A_10 : vector<1x128xf32> to vector<128xf32>
    %broadcast_in_dim3A = vector.shape_cast %get3A_11 : vector<128xf32> to vector<1x128xf32>
    %add3A = vector.broadcast %broadcast_in_dim3A : vector<1x128xf32> to vector<128x128xf32>
    %add3A_12 = arith.addf %dot_general3A_7, %add3A : vector<128x128xf32>
    %swap3A = arith.constant 0 : index
    %swap3A_13 = arith.constant 0 : index
    %swap3A_14 = vector.load %arg4[%swap3A, %swap3A_13] : memref<128x12800xf32, #tpu.memory_space<vmem>>, vector<128x128xf32>
    tpu.vector_store %arg4[%swap3A, %swap3A_13], %add3A_12 {strides = array<i32>} : memref<128x12800xf32, #tpu.memory_space<vmem>>, vector<128x128xf32>,
    %get3A_15 = arith.constant 0 : index
    %get3A_16 = arith.constant 128 : index
    %get3A_17 = vector.load %arg1[%get3A_15, %get3A_16] : memref<128x12800xf32, #tpu.memory_space<vmem>>, vector<128x128xf32>
    %convert_element_type3A_18 = arith.truncf %get3A_17 : vector<128x128xf32> to vector<128x128xbf16>
    %get3A_19 = arith.constant 1 : index
    %get3A_20 = arith.constant 0 : index
    %get3A_21 = arith.constant 0 : index
    %get3A_22 = vector.load %arg2[%get3A_19, %get3A_20, %get3A_21] : memref<100x128x128xbf16, #tpu.memory_space<vmem>>, vector<1x128x128xbf16>
    %get3A_23 = vector.shape_cast %get3A_22 : vector<1x128x128xbf16> to vector<128x128xbf16>
    %dot_general3A_24 = arith.constant dense<0.000000e+00> : vector<128x128xf32>
    %dot_general3A_25 = tpu.matmul %convert_element_type3A_18, %get3A_23, %dot_general3A_24 {dimension_numbers = #tpu.dot_dimension_numbers<[1], [0], [0], [1], [0, 0, 1, 1], [], []>, transpose_lhs_hint = false} : vector<128x128xbf16>, vector<128x128xbf16>, vector<128x128xf32> -> vector<128x128xf32>
    %get3A_26 = arith.constant 1 : index
    %get3A_27 = arith.constant 0 : index
    %get3A_28 = vector.load %arg3[%get3A_26, %get3A_27] : memref<100x128xf32, #tpu.memory_space<vmem>>, vector<1x128xf32>
    %get3A_29 = vector.shape_cast %get3A_28 : vector<1x128xf32> to vector<128xf32>
    %broadcast_in_dim3A_30 = vector.shape_cast %get3A_29 : vector<128xf32> to vector<1x128xf32>
    %add3A_31 = vector.broadcast %broadcast_in_dim3A_30 : vector<1x128xf32> to vector<128x128xf32>
    %add3A_32 = arith.addf %dot_general3A_25, %add3A_31 : vector<128x128xf32>
    %swap3A_33 = arith.constant 0 : index
    %swap3A_34 = arith.constant 128 : index
    %swap3A_35 = vector.load %arg4[%swap3A_33, %swap3A_34] : memref<128x12800xf32, #tpu.memory_space<vmem>>, vector<128x128xf32>
    tpu.vector_store %arg4[%swap3A_33, %swap3A_34], %add3A_32 {strides = array<i32>} : memref<128x12800xf32, #tpu.memory_space<vmem>>, vector<128x128xf32>,
    %get3A_36 = arith.constant 0 : index
    %get3A_37 = arith.constant 256 : index
    %get3A_38 = vector.load %arg1[%get3A_36, %get3A_37] : memref<128x12800xf32, #tpu.memory_space<vmem>>, vector<128x128xf32>
    %convert_element_type3A_39 = arith.truncf %get3A_38 : vector<128x128xf32> to vector<128x128xbf16>
    %get3A_40 = arith.constant 2 : index
    %get3A_41 = arith.constant 0 : index
    %get3A_42 = arith.constant 0 : index
    %get3A_43 = vector.load %arg2[%get3A_40, %get3A_41, %get3A_42] : memref<100x128x128xbf16, #tpu.memory_space<vmem>>, vector<1x128x128xbf16>
    %get3A_44 = vector.shape_cast %get3A_43 : vector<1x128x128xbf16> to vector<128x128xbf16>
    %dot_general3A_45 = arith.constant dense<0.000000e+00> : vector<128x128xf32>
    %dot_general3A_46 = tpu.matmul %convert_element_type3A_39, %get3A_44, %dot_general3A_45 {dimension_numbers = #tpu.dot_dimension_numbers<[1], [0], [0], [1], [0, 0, 1, 1], [], []>, transpose_lhs_hint = false} : vector<128x128xbf16>, vector<128x128xbf16>, vector<128x128xf32> -> vector<128x128xf32>
    %get3A_47 = arith.constant 2 : index
    %get3A_48 = arith.constant 0 : index
    %get3A_49 = vector.load %arg3[%get3A_47, %get3A_48] : memref<100x128xf32, #tpu.memory_space<vmem>>, vector<1x128xf32>
    %get3A_50 = vector.shape_cast %get3A_49 : vector<1x128xf32> to vector<128xf32>
    %broadcast_in_dim3A_51 = vector.shape_cast %get3A_50 : vector<128xf32> to vector<1x128xf32>
    %add3A_52 = vector.broadcast %broadcast_in_dim3A_51 : vector<1x128xf32> to vector<128x128xf32>
    %add3A_53 = arith.addf %dot_general3A_46, %add3A_52 : vector<128x128xf32>
    %swap3A_54 = arith.constant 0 : index
    %swap3A_55 = arith.constant 256 : index
    %swap3A_56 = vector.load %arg4[%swap3A_54, %swap3A_55] : memref<128x12800xf32, #tpu.memory_space<vmem>>, vector<128x128xf32>
    tpu.vector_store %arg4[%swap3A_54, %swap3A_55], %add3A_53 {strides = array<i32>} : memref<128x12800xf32, #tpu.memory_space<vmem>>, vector<128x128xf32>,
    %get3A_57 = arith.constant 0 : index
    %get3A_58 = arith.constant 384 : index
    %get3A_59 = vector.load %arg1[%get3A_57, %get3A_58] : memref<128x12800xf32, #tpu.memory_space<vmem>>, vector<128x128xf32>
    %convert_element_type3A_60 = arith.truncf %get3A_59 : vector<128x128xf32> to vector<128x128xbf16>
    %get3A_61 = arith.constant 3 : index
    %get3A_62 = arith.constant 0 : index
    %get3A_63 = arith.constant 0 : index
    %get3A_64 = vector.load %arg2[%get3A_61, %get3A_62, %get3A_63] : memref<100x128x128xbf16, #tpu.memory_space<vmem>>, vector<1x128x128xbf16>
    %get3A_65 = vector.shape_cast %get3A_64 : vector<1x128x128xbf16> to vector<128x128xbf16>
    %dot_general3A_66 = arith.constant dense<0.000000e+00> : vector<128x128xf32>
    %dot_general3A_67 = tpu.matmul %convert_element_type3A_60, %get3A_65, %dot_general3A_66 {dimension_numbers = #tpu.dot_dimension_numbers<[1], [0], [0], [1], [0, 0, 1, 1], [], []>, transpose_lhs_hint = false} : vector<128x128xbf16>, vector<128x128xbf16>, vector<128x128xf32> -> vector<128x128xf32>
    %get3A_68 = arith.constant 3 : index
    %get3A_69 = arith.constant 0 : index
    %get3A_70 = vector.load %arg3[%get3A_68, %get3A_69] : memref<100x128xf32, #tpu.memory_space<vmem>>, vector<1x128xf32>
    %get3A_71 = vector.shape_cast %get3A_70 : vector<1x128xf32> to vector<128xf32>
    %broadcast_in_dim3A_72 = vector.shape_cast %get3A_71 : vector<128xf32> to vector<1x128xf32>
    %add3A_73 = vector.broadcast %broadcast_in_dim3A_72 : vector<1x128xf32> to vector<128x128xf32>
    %add3A_74 = arith.addf %dot_general3A_67, %add3A_73 : vector<128x128xf32>
    %swap3A_75 = arith.constant 0 : index
    %swap3A_76 = arith.constant 384 : index
    %swap3A_77 = vector.load %arg4[%swap3A_75, %swap3A_76] : memref<128x12800xf32, #tpu.memory_space<vmem>>, vector<128x128xf32>
    tpu.vector_store %arg4[%swap3A_75, %swap3A_76], %add3A_74 {strides = array<i32>} : memref<128x12800xf32, #tpu.memory_space<vmem>>, vector<128x128xf32>,
    %get3A_78 = arith.constant 0 : index
    %get3A_79 = arith.constant 512 : index
    %get3A_80 = vector.load %arg1[%get3A_78, %get3A_79] : memref<128x12800xf32, #tpu.memory_space<vmem>>, vector<128x128xf32>
    %convert_element_type3A_81 = arith.truncf %get3A_80 : vector<128x128xf32> to vector<128x128xbf16>
    %get3A_82 = arith.constant 4 : index
    %get3A_83 = arith.constant 0 : index
    %get3A_84 = arith.constant 0 : index
    %get3A_85 = vector.load %arg2[%get3A_82, %get3A_83, %get3A_84] : memref<100x128x128xbf16, #tpu.memory_space<vmem>>, vector<1x128x128xbf16>
    %get3A_86 = vector.shape_cast %get3A_85 : vector<1x128x128xbf16> to vector<128x128xbf16>
    %dot_general3A_87 = arith.constant dense<0.000000e+00> : vector<128x128xf32>
    %dot_general3A_88 = tpu.matmul %convert_element_type3A_81, %get3A_86, %dot_general3A_87 {dimension_numbers = #tpu.dot_dimension_numbers<[1], [0], [0], [1], [0, 0, 1, 1], [], []>, transpose_lhs_hint = false} : vector<128x128xbf16>, vector<128x128xbf16>, vector<128x128xf32> -> vector<128x128xf32>
    %get3A_89 = arith.constant 4 : index
    %get3A_90 = arith.constant 0 : index
    %get3A_91 = vector.load %arg3[%get3A_89, %get3A_90] : memref<100x128xf32, #tpu.memory_space<vmem>>, vector<1x128xf32>
    %get3A_92 = vector.shape_cast %get3A_91 : vector<1x128xf32> to vector<128xf32>
    %broadcast_in_dim3A_93 = vector.shape_cast %get3A_92 : vector<128xf32> to vector<1x128xf32>
    %add3A_94 = vector.broadcast %broadcast_in_dim3A_93 : vector<1x128xf32> to vector<128x128xf32>
    %add3A_95 = arith.addf %dot_general3A_88, %add3A_94 : vector<128x128xf32>
    %swap3A_96 = arith.constant 0 : index
    %swap3A_97 = arith.constant 512 : index
    %swap3A_98 = vector.load %arg4[%swap3A_96, %swap3A_97] : memref<128x12800xf32, #tpu.memory_space<vmem>>, vector<128x128xf32>
    tpu.vector_store %arg4[%swap3A_96, %swap3A_97], %add3A_95 {strides = array<i32>} : memref<128x12800xf32, #tpu.memory_space<vmem>>, vector<128x128xf32>,
    %get3A_99 = arith.constant 0 : index
    %get3A_100 = arith.constant 640 : index
    %get3A_101 = vector.load %arg1[%get3A_99, %get3A_100] : memref<128x12800xf32, #tpu.memory_space<vmem>>, vector<128x128xf32>
    %convert_element_type3A_102 = arith.truncf %get3A_101 : vector<128x128xf32> to vector<128x128xbf16>
    %get3A_103 = arith.constant 5 : index
    %get3A_104 = arith.constant 0 : index
    %get3A_105 = arith.constant 0 : index
    %get3A_106 = vector.load %arg2[%get3A_103, %get3A_104, %get3A_105] : memref<100x128x128xbf16, #tpu.memory_space<vmem>>, vector<1x128x128xbf16>
    %get3A_107 = vector.shape_cast %get3A_106 : vector<1x128x128xbf16> to vector<128x128xbf16>
    %dot_general3A_108 = arith.constant dense<0.000000e+00> : vector<128x128xf32>
    %dot_general3A_109 = tpu.matmul %convert_element_type3A_102, %get3A_107, %dot_general3A_108 {dimension_numbers = #tpu.dot_dimension_numbers<[1], [0], [0], [1], [0, 0, 1, 1], [], []>, transpose_lhs_hint = false} : vector<128x128xbf16>, vector<128x128xbf16>, vector<128x128xf32> -> vector<128x128xf32>
    %get3A_110 = arith.constant 5 : index
    %get3A_111 = arith.constant 0 : index
    %get3A_112 = vector.load %arg3[%get3A_110, %get3A_111] : memref<100x128xf32, #tpu.memory_space<vmem>>, vector<1x128xf32>
    %get3A_113 = vector.shape_cast %get3A_112 : vector<1x128xf32> to vector<128xf32>
    %broadcast_in_dim3A_114 = vector.shape_cast %get3A_113 : vector<128xf32> to vector<1x128xf32>
    %add3A_115 = vector.broadcast %broadcast_in_dim3A_114 : vector<1x128xf32> to vector<128x128xf32>
    %add3A_116 = arith.addf %dot_general3A_109, %add3A_115 : vector<128x128xf32>
    %swap3A_117 = arith.constant 0 : index
    %swap3A_118 = arith.constant 640 : index
    %swap3A_119 = vector.load %arg4[%swap3A_117, %swap3A_118] : memref<128x12800xf32, #tpu.memory_space<vmem>>, vector<128x128xf32>
    tpu.vector_store %arg4[%swap3A_117, %swap3A_118], %add3A_116 {strides = array<i32>} : memref<128x12800xf32, #tpu.memory_space<vmem>>, vector<128x128xf32>,
    %get3A_120 = arith.constant 0 : index
    %get3A_121 = arith.constant 768 : index
    %get3A_122 = vector.load %arg1[%get3A_120, %get3A_121] : memref<128x12800xf32, #tpu.memory_space<vmem>>, vector<128x128xf32>
    %convert_element_type3A_123 = arith.truncf %get3A_122 : vector<128x128xf32> to vector<128x128xbf16>
    %get3A_124 = arith.constant 6 : index
    %get3A_125 = arith.constant 0 : index
    %get3A_126 = arith.constant 0 : index
    %get3A_127 = vector.load %arg2[%get3A_124, %get3A_125, %get3A_126] : memref<100x128x128xbf16, #tpu.memory_space<vmem>>, vector<1x128x128xbf16>
    %get3A_128 = vector.shape_cast %get3A_127 : vector<1x128x128xbf16> to vector<128x128xbf16>
    %dot_general3A_129 = arith.constant dense<0.000000e+00> : vector<128x128xf32>
    %dot_general3A_130 = tpu.matmul %convert_element_type3A_123, %get3A_128, %dot_general3A_129 {dimension_numbers = #tpu.dot_dimension_numbers<[1], [0], [0], [1], [0, 0, 1, 1], [], []>, transpose_lhs_hint = false} : vector<128x128xbf16>, vector<128x128xbf16>, vector<128x128xf32> -> vector<128x128xf32>
    %get3A_131 = arith.constant 6 : index
    %get3A_132 = arith.constant 0 : index
    %get3A_133 = vector.load %arg3[%get3A_131, %get3A_132] : memref<100x128xf32, #tpu.memory_space<vmem>>, vector<1x128xf32>
    %get3A_134 = vector.shape_cast %get3A_133 : vector<1x128xf32> to vector<128xf32>
    %broadcast_in_dim3A_135 = vector.shape_cast %get3A_134 : vector<128xf32> to vector<1x128xf32>
    %add3A_136 = vector.broadcast %broadcast_in_dim3A_135 : vector<1x128xf32> to vector<128x128xf32>
    %add3A_137 = arith.addf %dot_general3A_130, %add3A_136 : vector<128x128xf32>
    %swap3A_138 = arith.constant 0 : index
    %swap3A_139 = arith.constant 768 : index
    %swap3A_140 = vector.load %arg4[%swap3A_138, %swap3A_139] : memref<128x12800xf32, #tpu.memory_space<vmem>>, vector<128x128xf32>
    tpu.vector_store %arg4[%swap3A_138, %swap3A_139], %add3A_137 {strides = array<i32>} : memref<128x12800xf32, #tpu.memory_space<vmem>>, vector<128x128xf32>,
    %get3A_141 = arith.constant 0 : index
    %get3A_142 = arith.constant 896 : index
    %get3A_143 = vector.load %arg1[%get3A_141, %get3A_142] : memref<128x12800xf32, #tpu.memory_space<vmem>>, vector<128x128xf32>
    %convert_element_type3A_144 = arith.truncf %get3A_143 : vector<128x128xf32> to vector<128x128xbf16>
    %get3A_145 = arith.constant 7 : index
    %get3A_146 = arith.constant 0 : index
    %get3A_147 = arith.constant 0 : index
    %get3A_148 = vector.load %arg2[%get3A_145, %get3A_146, %get3A_147] : memref<100x128x128xbf16, #tpu.memory_space<vmem>>, vector<1x128x128xbf16>
    %get3A_149 = vector.shape_cast %get3A_148 : vector<1x128x128xbf16> to vector<128x128xbf16>
    %dot_general3A_150 = arith.constant dense<0.000000e+00> : vector<128x128xf32>
    %dot_general3A_151 = tpu.matmul %convert_element_type3A_144, %get3A_149, %dot_general3A_150 {dimension_numbers = #tpu.dot_dimension_numbers<[1], [0], [0], [1], [0, 0, 1, 1], [], []>, transpose_lhs_hint = false} : vector<128x128xbf16>, vector<128x128xbf16>, vector<128x128xf32> -> vector<128x128xf32>
    %get3A_152 = arith.constant 7 : index
    %get3A_153 = arith.constant 0 : index
    %get3A_154 = vector.load %arg3[%get3A_152, %get3A_153] : memref<100x128xf32, #tpu.memory_space<vmem>>, vector<1x128xf32>
    %get3A_155 = vector.shape_cast %get3A_154 : vector<1x128xf32> to vector<128xf32>
    %broadcast_in_dim3A_156 = vector.shape_cast %get3A_155 : vector<128xf32> to vector<1x128xf32>
    %add3A_157 = vector.broadcast %broadcast_in_dim3A_156 : vector<1x128xf32> to vector<128x128xf32>
    %add3A_158 = arith.addf %dot_general3A_151, %add3A_157 : vector<128x128xf32>
    %swap3A_159 = arith.constant 0 : index
    %swap3A_160 = arith.constant 896 : index
    %swap3A_161 = vector.load %arg4[%swap3A_159, %swap3A_160] : memref<128x12800xf32, #tpu.memory_space<vmem>>, vector<128x128xf32>
    tpu.vector_store %arg4[%swap3A_159, %swap3A_160], %add3A_158 {strides = array<i32>} : memref<128x12800xf32, #tpu.memory_space<vmem>>, vector<128x128xf32>,
    %get3A_162 = arith.constant 0 : index
    %get3A_163 = arith.constant 1024 : index
    %get3A_164 = vector.load %arg1[%get3A_162, %get3A_163] : memref<128x12800xf32, #tpu.memory_space<vmem>>, vector<128x128xf32>
    %convert_element_type3A_165 = arith.truncf %get3A_164 : vector<128x128xf32> to vector<128x128xbf16>
    %get3A_166 = arith.constant 8 : index
    %get3A_167 = arith.constant 0 : index
    %get3A_168 = arith.constant 0 : index
    %get3A_169 = vector.load %arg2[%get3A_166, %get3A_167, %get3A_168] : memref<100x128x128xbf16, #tpu.memory_space<vmem>>, vector<1x128x128xbf16>
    %get3A_170 = vector.shape_cast %get3A_169 : vector<1x128x128xbf16> to vector<128x128xbf16>
    %dot_general3A_171 = arith.constant dense<0.000000e+00> : vector<128x128xf32>
    %dot_general3A_172 = tpu.matmul %convert_element_type3A_165, %get3A_170, %dot_general3A_171 {dimension_numbers = #tpu.dot_dimension_numbers<[1], [0], [0], [1], [0, 0, 1, 1], [], []>, transpose_lhs_hint = false} : vector<128x128xbf16>, vector<128x128xbf16>, vector<128x128xf32> -> vector<128x128xf32>
    %get3A_173 = arith.constant 8 : index
    %get3A_174 = arith.constant 0 : index
    %get3A_175 = vector.load %arg3[%get3A_173, %get3A_174] : memref<100x128xf32, #tpu.memory_space<vmem>>, vector<1x128xf32>
    %get3A_176 = vector.shape_cast %get3A_175 : vector<1x128xf32> to vector<128xf32>
    %broadcast_in_dim3A_177 = vector.shape_cast %get3A_176 : vector<128xf32> to vector<1x128xf32>
    %add3A_178 = vector.broadcast %broadcast_in_dim3A_177 : vector<1x128xf32> to vector<128x128xf32>
    %add3A_179 = arith.addf %dot_general3A_172, %add3A_178 : vector<128x128xf32>
    %swap3A_180 = arith.constant 0 : index
    %swap3A_181 = arith.constant 1024 : index
    %swap3A_182 = vector.load %arg4[%swap3A_180, %swap3A_181] : memref<128x12800xf32, #tpu.memory_space<vmem>>, vector<128x128xf32>
    tpu.vector_store %arg4[%swap3A_180, %swap3A_181], %add3A_179 {strides = array<i32>} : memref<128x12800xf32, #tpu.memory_space<vmem>>, vector<128x128xf32>,
    %get3A_183 = arith.constant 0 : index
    %get3A_184 = arith.constant 1152 : index
    %get3A_185 = vector.load %arg1[%get3A_183, %get3A_184] : memref<128x12800xf32, #tpu.memory_space<vmem>>, vector<128x128xf32>
    %convert_element_type3A_186 = arith.truncf %get3A_185 : vector<128x128xf32> to vector<128x128xbf16>
    %get3A_187 = arith.constant 9 : index
    %get3A_188 = arith.constant 0 : index
    %get3A_189 = arith.constant 0 : index
    %get3A_190 = vector.load %arg2[%get3A_187, %get3A_188, %get3A_189] : memref<100x128x128xbf16, #tpu.memory_space<vmem>>, vector<1x128x128xbf16>
    %get3A_191 = vector.shape_cast %get3A_190 : vector<1x128x128xbf16> to vector<128x128xbf16>
    %dot_general3A_192 = arith.constant dense<0.000000e+00> : vector<128x128xf32>
    %dot_general3A_193 = tpu.matmul %convert_element_type3A_186, %get3A_191, %dot_general3A_192 {dimension_numbers = #tpu.dot_dimension_numbers<[1], [0], [0], [1], [0, 0, 1, 1], [], []>, transpose_lhs_hint = false} : vector<128x128xbf16>, vector<128x128xbf16>, vector<128x128xf32> -> vector<128x128xf32>
    %get3A_194 = arith.constant 9 : index
    %get3A_195 = arith.constant 0 : index
    %get3A_196 = vector.load %arg3[%get3A_194, %get3A_195] : memref<100x128xf32, #tpu.memory_space<vmem>>, vector<1x128xf32>
    %get3A_197 = vector.shape_cast %get3A_196 : vector<1x128xf32> to vector<128xf32>
    %broadcast_in_dim3A_198 = vector.shape_cast %get3A_197 : vector<128xf32> to vector<1x128xf32>
    %add3A_199 = vector.broadcast %broadcast_in_dim3A_198 : vector<1x128xf32> to vector<128x128xf32>
    %add3A_200 = arith.addf %dot_general3A_193, %add3A_199 : vector<128x128xf32>
    %swap3A_201 = arith.constant 0 : index
    %swap3A_202 = arith.constant 1152 : index
    %swap3A_203 = vector.load %arg4[%swap3A_201, %swap3A_202] : memref<128x12800xf32, #tpu.memory_space<vmem>>, vector<128x128xf32>
    tpu.vector_store %arg4[%swap3A_201, %swap3A_202], %add3A_200 {strides = array<i32>} : memref<128x12800xf32, #tpu.memory_space<vmem>>, vector<128x128xf32>,
    %get3A_204 = arith.constant 0 : index
    %get3A_205 = arith.constant 1280 : index
    %get3A_206 = vector.load %arg1[%get3A_204, %get3A_205] : memref<128x12800xf32, #tpu.memory_space<vmem>>, vector<128x128xf32>
    %convert_element_type3A_207 = arith.truncf %get3A_206 : vector<128x128xf32> to vector<128x128xbf16>
    %get3A_208 = arith.constant 10 : index
    %get3A_209 = arith.constant 0 : index
    %get3A_210 = arith.constant 0 : index
    %get3A_211 = vector.load %arg2[%get3A_208, %get3A_209, %get3A_210] : memref<100x128x128xbf16, #tpu.memory_space<vmem>>, vector<1x128x128xbf16>
    %get3A_212 = vector.shape_cast %get3A_211 : vector<1x128x128xbf16> to vector<128x128xbf16>
    %dot_general3A_213 = arith.constant dense<0.000000e+00> : vector<128x128xf32>
    %dot_general3A_214 = tpu.matmul %convert_element_type3A_207, %get3A_212, %dot_general3A_213 {dimension_numbers = #tpu.dot_dimension_numbers<[1], [0], [0], [1], [0, 0, 1, 1], [], []>, transpose_lhs_hint = false} : vector<128x128xbf16>, vector<128x128xbf16>, vector<128x128xf32> -> vector<128x128xf32>
    %get3A_215 = arith.constant 10 : index
    %get3A_216 = arith.constant 0 : index
    %get3A_217 = vector.load %arg3[%get3A_215, %get3A_216] : memref<100x128xf32, #tpu.memory_space<vmem>>, vector<1x128xf32>
    %get3A_218 = vector.shape_cast %get3A_217 : vector<1x128xf32> to vector<128xf32>
    %broadcast_in_dim3A_219 = vector.shape_cast %get3A_218 : vector<128xf32> to vector<1x128xf32>
    %add3A_220 = vector.broadcast %broadcast_in_dim3A_219 : vector<1x128xf32> to vector<128x128xf32>
    %add3A_221 = arith.addf %dot_general3A_214, %add3A_220 : vector<128x128xf32>
    %swap3A_222 = arith.constant 0 : index
    %swap3A_223 = arith.constant 1280 : index
    %swap3A_224 = vector.load %arg4[%swap3A_222, %swap3A_223] : memref<128x12800xf32, #tpu.memory_space<vmem>>, vector<128x128xf32>
    tpu.vector_store %arg4[%swap3A_222, %swap3A_223], %add3A_221 {strides = array<i32>} : memref<128x12800xf32, #tpu.memory_space<vmem>>, vector<128x128xf32>,
    %get3A_225 = arith.constant 0 : index
    %get3A_226 = arith.constant 1408 : index
    %get3A_227 = vector.load %arg1[%get3A_225, %get3A_226] : memref<128x12800xf32, #tpu.memory_space<vmem>>, vector<128x128xf32>
    %convert_element_type3A_228 = arith.truncf %get3A_227 : vector<128x128xf32> to vector<128x128xbf16>
    %get3A_229 = arith.constant 11 : index
    %get3A_230 = arith.constant 0 : index
    %get3A_231 = arith.constant 0 : index
    %get3A_232 = vector.load %arg2[%get3A_229, %get3A_230, %get3A_231] : memref<100x128x128xbf16, #tpu.memory_space<vmem>>, vector<1x128x128xbf16>
    %get3A_233 = vector.shape_cast %get3A_232 : vector<1x128x128xbf16> to vector<128x128xbf16>
    %dot_general3A_234 = arith.constant dense<0.000000e+00> : vector<128x128xf32>
    %dot_general3A_235 = tpu.matmul %convert_element_type3A_228, %get3A_233, %dot_general3A_234 {dimension_numbers = #tpu.dot_dimension_numbers<[1], [0], [0], [1], [0, 0, 1, 1], [], []>, transpose_lhs_hint = false} : vector<128x128xbf16>, vector<128x128xbf16>, vector<128x128xf32> -> vector<128x128xf32>
    %get3A_236 = arith.constant 11 : index
    %get3A_237 = arith.constant 0 : index
    %get3A_238 = vector.load %arg3[%get3A_236, %get3A_237] : memref<100x128xf32, #tpu.memory_space<vmem>>, vector<1x128xf32>
    %get3A_239 = vector.shape_cast %get3A_238 : vector<1x128xf32> to vector<128xf32>
    %broadcast_in_dim3A_240 = vector.shape_cast %get3A_239 : vector<128xf32> to vector<1x128xf32>
    %add3A_241 = vector.broadcast %broadcast_in_dim3A_240 : vector<1x128xf32> to vector<128x128xf32>
    %add3A_242 = arith.addf %dot_general3A_235, %add3A_241 : vector<128x128xf32>
    %swap3A_243 = arith.constant 0 : index
    %swap3A_244 = arith.constant 1408 : index
    %swap3A_245 = vector.load %arg4[%swap3A_243, %swap3A_244] : memref<128x12800xf32, #tpu.memory_space<vmem>>, vector<128x128xf32>
    tpu.vector_store %arg4[%swap3A_243, %swap3A_244], %add3A_242 {strides = array<i32>} : memref<128x12800xf32, #tpu.memory_space<vmem>>, vector<128x128xf32>,
    %get3A_246 = arith.constant 0 : index
    %get3A_247 = arith.constant 1536 : index
    %get3A_248 = vector.load %arg1[%get3A_246, %get3A_247] : memref<128x12800xf32, #tpu.memory_space<vmem>>, vector<128x128xf32>
    %convert_element_type3A_249 = arith.truncf %get3A_248 : vector<128x128xf32> to vector<128x128xbf16>
    %get3A_250 = arith.constant 12 : index
    %get3A_251 = arith.constant 0 : index
    %get3A_252 = arith.constant 0 : index
    %get3A_253 = vector.load %arg2[%get3A_250, %get3A_251, %get3A_252] : memref<100x128x128xbf16, #tpu.memory_space<vmem>>, vector<1x128x128xbf16>
    %get3A_254 = vector.shape_cast %get3A_253 : vector<1x128x128xbf16> to vector<128x128xbf16>
    %dot_general3A_255 = arith.constant dense<0.000000e+00> : vector<128x128xf32>
    %dot_general3A_256 = tpu.matmul %convert_element_type3A_249, %get3A_254, %dot_general3A_255 {dimension_numbers = #tpu.dot_dimension_numbers<[1], [0], [0], [1], [0, 0, 1, 1], [], []>, transpose_lhs_hint = false} : vector<128x128xbf16>, vector<128x128xbf16>, vector<128x128xf32> -> vector<128x128xf32>
    %get3A_257 = arith.constant 12 : index
    %get3A_258 = arith.constant 0 : index
    %get3A_259 = vector.load %arg3[%get3A_257, %get3A_258] : memref<100x128xf32, #tpu.memory_space<vmem>>, vector<1x128xf32>
    %get3A_260 = vector.shape_cast %get3A_259 : vector<1x128xf32> to vector<128xf32>
    %broadcast_in_dim3A_261 = vector.shape_cast %get3A_260 : vector<128xf32> to vector<1x128xf32>
    %add3A_262 = vector.broadcast %broadcast_in_dim3A_261 : vector<1x128xf32> to vector<128x128xf32>
    %add3A_263 = arith.addf %dot_general3A_256, %add3A_262 : vector<128x128xf32>
    %swap3A_264 = arith.constant 0 : index
    %swap3A_265 = arith.constant 1536 : index
    %swap3A_266 = vector.load %arg4[%swap3A_264, %swap3A_265] : memref<128x12800xf32, #tpu.memory_space<vmem>>, vector<128x128xf32>
    tpu.vector_store %arg4[%swap3A_264, %swap3A_265], %add3A_263 {strides = array<i32>} : memref<128x12800xf32, #tpu.memory_space<vmem>>, vector<128x128xf32>,
    %get3A_267 = arith.constant 0 : index
    %get3A_268 = arith.constant 1664 : index
    %get3A_269 = vector.load %arg1[%get3A_267, %get3A_268] : memref<128x12800xf32, #tpu.memory_space<vmem>>, vector<128x128xf32>
    %convert_element_type3A_270 = arith.truncf %get3A_269 : vector<128x128xf32> to vector<128x128xbf16>
    %get3A_271 = arith.constant 13 : index
    %get3A_272 = arith.constant 0 : index
    %get3A_273 = arith.constant 0 : index
    %get3A_274 = vector.load %arg2[%get3A_271, %get3A_272, %get3A_273] : memref<100x128x128xbf16, #tpu.memory_space<vmem>>, vector<1x128x128xbf16>
    %get3A_275 = vector.shape_cast %get3A_274 : vector<1x128x128xbf16> to vector<128x128xbf16>
    %dot_general3A_276 = arith.constant dense<0.000000e+00> : vector<128x128xf32>
    %dot_general3A_277 = tpu.matmul %convert_element_type3A_270, %get3A_275, %dot_general3A_276 {dimension_numbers = #tpu.dot_dimension_numbers<[1], [0], [0], [1], [0, 0, 1, 1], [], []>, transpose_lhs_hint = false} : vector<128x128xbf16>, vector<128x128xbf16>, vector<128x128xf32> -> vector<128x128xf32>
    %get3A_278 = arith.constant 13 : index
    %get3A_279 = arith.constant 0 : index
    %get3A_280 = vector.load %arg3[%get3A_278, %get3A_279] : memref<100x128xf32, #tpu.memory_space<vmem>>, vector<1x128xf32>
    %get3A_281 = vector.shape_cast %get3A_280 : vector<1x128xf32> to vector<128xf32>
    %broadcast_in_dim3A_282 = vector.shape_cast %get3A_281 : vector<128xf32> to vector<1x128xf32>
    %add3A_283 = vector.broadcast %broadcast_in_dim3A_282 : vector<1x128xf32> to vector<128x128xf32>
    %add3A_284 = arith.addf %dot_general3A_277, %add3A_283 : vector<128x128xf32>
    %swap3A_285 = arith.constant 0 : index
    %swap3A_286 = arith.constant 1664 : index
    %swap3A_287 = vector.load %arg4[%swap3A_285, %swap3A_286] : memref<128x12800xf32, #tpu.memory_space<vmem>>, vector<128x128xf32>
    tpu.vector_store %arg4[%swap3A_285, %swap3A_286], %add3A_284 {strides = array<i32>} : memref<128x12800xf32, #tpu.memory_space<vmem>>, vector<128x128xf32>,
    %get3A_288 = arith.constant 0 : index
    %get3A_289 = arith.constant 1792 : index
    %get3A_290 = vector.load %arg1[%get3A_288, %get3A_289] : memref<128x12800xf32, #tpu.memory_space<vmem>>, vector<128x128xf32>
    %convert_element_type3A_291 = arith.truncf %get3A_290 : vector<128x128xf32> to vector<128x128xbf16>
    %get3A_292 = arith.constant 14 : index
    %get3A_293 = arith.constant 0 : index
    %get3A_294 = arith.constant 0 : index
    %get3A_295 = vector.load %arg2[%get3A_292, %get3A_293, %get3A_294] : memref<100x128x128xbf16, #tpu.memory_space<vmem>>, vector<1x128x128xbf16>
    %get3A_296 = vector.shape_cast %get3A_295 : vector<1x128x128xbf16> to vector<128x128xbf16>
    %dot_general3A_297 = arith.constant dense<0.000000e+00> : vector<128x128xf32>
    %dot_general3A_298 = tpu.matmul %convert_element_type3A_291, %get3A_296, %dot_general3A_297 {dimension_numbers = #tpu.dot_dimension_numbers<[1], [0], [0], [1], [0, 0, 1, 1], [], []>, transpose_lhs_hint = false} : vector<128x128xbf16>, vector<128x128xbf16>, vector<128x128xf32> -> vector<128x128xf32>
    %get3A_299 = arith.constant 14 : index
    %get3A_300 = arith.constant 0 : index
    %get3A_301 = vector.load %arg3[%get3A_299, %get3A_300] : memref<100x128xf32, #tpu.memory_space<vmem>>, vector<1x128xf32>
    %get3A_302 = vector.shape_cast %get3A_301 : vector<1x128xf32> to vector<128xf32>
    %broadcast_in_dim3A_303 = vector.shape_cast %get3A_302 : vector<128xf32> to vector<1x128xf32>
    %add3A_304 = vector.broadcast %broadcast_in_dim3A_303 : vector<1x128xf32> to vector<128x128xf32>
    %add3A_305 = arith.addf %dot_general3A_298, %add3A_304 : vector<128x128xf32>
    %swap3A_306 = arith.constant 0 : index
    %swap3A_307 = arith.constant 1792 : index
    %swap3A_308 = vector.load %arg4[%swap3A_306, %swap3A_307] : memref<128x12800xf32, #tpu.memory_space<vmem>>, vector<128x128xf32>
    tpu.vector_store %arg4[%swap3A_306, %swap3A_307], %add3A_305 {strides = array<i32>} : memref<128x12800xf32, #tpu.memory_space<vmem>>, vector<128x128xf32>,
    %get3A_309 = arith.constant 0 : index
    %get3A_310 = arith.constant 1920 : index
    %get3A_311 = vector.load %arg1[%get3A_309, %get3A_310] : memref<128x12800xf32, #tpu.memory_space<vmem>>, vector<128x128xf32>
    %convert_element_type3A_312 = arith.truncf %get3A_311 : vector<128x128xf32> to vector<128x128xbf16>
    %get3A_313 = arith.constant 15 : index
    %get3A_314 = arith.constant 0 : index
    %get3A_315 = arith.constant 0 : index
    %get3A_316 = vector.load %arg2[%get3A_313, %get3A_314, %get3A_315] : memref<100x128x128xbf16, #tpu.memory_space<vmem>>, vector<1x128x128xbf16>
    %get3A_317 = vector.shape_cast %get3A_316 : vector<1x128x128xbf16> to vector<128x128xbf16>
    %dot_general3A_318 = arith.constant dense<0.000000e+00> : vector<128x128xf32>
    %dot_general3A_319 = tpu.matmul %convert_element_type3A_312, %get3A_317, %dot_general3A_318 {dimension_numbers = #tpu.dot_dimension_numbers<[1], [0], [0], [1], [0, 0, 1, 1], [], []>, transpose_lhs_hint = false} : vector<128x128xbf16>, vector<128x128xbf16>, vector<128x128xf32> -> vector<128x128xf32>
    %get3A_320 = arith.constant 15 : index
    %get3A_321 = arith.constant 0 : index
    %get3A_322 = vector.load %arg3[%get3A_320, %get3A_321] : memref<100x128xf32, #tpu.memory_space<vmem>>, vector<1x128xf32>
    %get3A_323 = vector.shape_cast %get3A_322 : vector<1x128xf32> to vector<128xf32>
    %broadcast_in_dim3A_324 = vector.shape_cast %get3A_323 : vector<128xf32> to vector<1x128xf32>
    %add3A_325 = vector.broadcast %broadcast_in_dim3A_324 : vector<1x128xf32> to vector<128x128xf32>
    %add3A_326 = arith.addf %dot_general3A_319, %add3A_325 : vector<128x128xf32>
    %swap3A_327 = arith.constant 0 : index
    %swap3A_328 = arith.constant 1920 : index
    %swap3A_329 = vector.load %arg4[%swap3A_327, %swap3A_328] : memref<128x12800xf32, #tpu.memory_space<vmem>>, vector<128x128xf32>
    tpu.vector_store %arg4[%swap3A_327, %swap3A_328], %add3A_326 {strides = array<i32>} : memref<128x12800xf32, #tpu.memory_space<vmem>>, vector<128x128xf32>,
    %get3A_330 = arith.constant 0 : index
    %get3A_331 = arith.constant 2048 : index
    %get3A_332 = vector.load %arg1[%get3A_330, %get3A_331] : memref<128x12800xf32, #tpu.memory_space<vmem>>, vector<128x128xf32>
    %convert_element_type3A_333 = arith.truncf %get3A_332 : vector<128x128xf32> to vector<128x128xbf16>
    %get3A_334 = arith.constant 16 : index
    %get3A_335 = arith.constant 0 : index
    %get3A_336 = arith.constant 0 : index
    %get3A_337 = vector.load %arg2[%get3A_334, %get3A_335, %get3A_336] : memref<100x128x128xbf16, #tpu.memory_space<vmem>>, vector<1x128x128xbf16>
    %get3A_338 = vector.shape_cast %get3A_337 : vector<1x128x128xbf16> to vector<128x128xbf16>
    %dot_general3A_339 = arith.constant dense<0.000000e+00> : vector<128x128xf32>
    %dot_general3A_340 = tpu.matmul %convert_element_type3A_333, %get3A_338, %dot_general3A_339 {dimension_numbers = #tpu.dot_dimension_numbers<[1], [0], [0], [1], [0, 0, 1, 1], [], []>, transpose_lhs_hint = false} : vector<128x128xbf16>, vector<128x128xbf16>, vector<128x128xf32> -> vector<128x128xf32>
    %get3A_341 = arith.constant 16 : index
    %get3A_342 = arith.constant 0 : index
    %get3A_343 = vector.load %arg3[%get3A_341, %get3A_342] : memref<100x128xf32, #tpu.memory_space<vmem>>, vector<1x128xf32>
    %get3A_344 = vector.shape_cast %get3A_343 : vector<1x128xf32> to vector<128xf32>
    %broadcast_in_dim3A_345 = vector.shape_cast %get3A_344 : vector<128xf32> to vector<1x128xf32>
    %add3A_346 = vector.broadcast %broadcast_in_dim3A_345 : vector<1x128xf32> to vector<128x128xf32>
    %add3A_347 = arith.addf %dot_general3A_340, %add3A_346 : vector<128x128xf32>
    %swap3A_348 = arith.constant 0 : index
    %swap3A_349 = arith.constant 2048 : index
    %swap3A_350 = vector.load %arg4[%swap3A_348, %swap3A_349] : memref<128x12800xf32, #tpu.memory_space<vmem>>, vector<128x128xf32>
    tpu.vector_store %arg4[%swap3A_348, %swap3A_349], %add3A_347 {strides = array<i32>} : memref<128x12800xf32, #tpu.memory_space<vmem>>, vector<128x128xf32>,
    %get3A_351 = arith.constant 0 : index
    %get3A_352 = arith.constant 2176 : index
    %get3A_353 = vector.load %arg1[%get3A_351, %get3A_352] : memref<128x12800xf32, #tpu.memory_space<vmem>>, vector<128x128xf32>
    %convert_element_type3A_354 = arith.truncf %get3A_353 : vector<128x128xf32> to vector<128x128xbf16>
    %get3A_355 = arith.constant 17 : index
    %get3A_356 = arith.constant 0 : index
    %get3A_357 = arith.constant 0 : index
    %get3A_358 = vector.load %arg2[%get3A_355, %get3A_356, %get3A_357] : memref<100x128x128xbf16, #tpu.memory_space<vmem>>, vector<1x128x128xbf16>
    %get3A_359 = vector.shape_cast %get3A_358 : vector<1x128x128xbf16> to vector<128x128xbf16>
    %dot_general3A_360 = arith.constant dense<0.000000e+00> : vector<128x128xf32>
    %dot_general3A_361 = tpu.matmul %convert_element_type3A_354, %get3A_359, %dot_general3A_360 {dimension_numbers = #tpu.dot_dimension_numbers<[1], [0], [0], [1], [0, 0, 1, 1], [], []>, transpose_lhs_hint = false} : vector<128x128xbf16>, vector<128x128xbf16>, vector<128x128xf32> -> vector<128x128xf32>
    %get3A_362 = arith.constant 17 : index
    %get3A_363 = arith.constant 0 : index
    %get3A_364 = vector.load %arg3[%get3A_362, %get3A_363] : memref<100x128xf32, #tpu.memory_space<vmem>>, vector<1x128xf32>
    %get3A_365 = vector.shape_cast %get3A_364 : vector<1x128xf32> to vector<128xf32>
    %broadcast_in_dim3A_366 = vector.shape_cast %get3A_365 : vector<128xf32> to vector<1x128xf32>
    %add3A_367 = vector.broadcast %broadcast_in_dim3A_366 : vector<1x128xf32> to vector<128x128xf32>
    %add3A_368 = arith.addf %dot_general3A_361, %add3A_367 : vector<128x128xf32>
    %swap3A_369 = arith.constant 0 : index
    %swap3A_370 = arith.constant 2176 : index
    %swap3A_371 = vector.load %arg4[%swap3A_369, %swap3A_370] : memref<128x12800xf32, #tpu.memory_space<vmem>>, vector<128x128xf32>
    tpu.vector_store %arg4[%swap3A_369, %swap3A_370], %add3A_368 {strides = array<i32>} : memref<128x12800xf32, #tpu.memory_space<vmem>>, vector<128x128xf32>,
    %get3A_372 = arith.constant 0 : index
    %get3A_373 = arith.constant 2304 : index
    %get3A_374 = vector.load %arg1[%get3A_372, %get3A_373] : memref<128x12800xf32, #tpu.memory_space<vmem>>, vector<128x128xf32>
    %convert_element_type3A_375 = arith.truncf %get3A_374 : vector<128x128xf32> to vector<128x128xbf16>
    %get3A_376 = arith.constant 18 : index
    %get3A_377 = arith.constant 0 : index
    %get3A_378 = arith.constant 0 : index
    %get3A_379 = vector.load %arg2[%get3A_376, %get3A_377, %get3A_378] : memref<100x128x128xbf16, #tpu.memory_space<vmem>>, vector<1x128x128xbf16>
    %get3A_380 = vector.shape_cast %get3A_379 : vector<1x128x128xbf16> to vector<128x128xbf16>
    %dot_general3A_381 = arith.constant dense<0.000000e+00> : vector<128x128xf32>
    %dot_general3A_382 = tpu.matmul %convert_element_type3A_375, %get3A_380, %dot_general3A_381 {dimension_numbers = #tpu.dot_dimension_numbers<[1], [0], [0], [1], [0, 0, 1, 1], [], []>, transpose_lhs_hint = false} : vector<128x128xbf16>, vector<128x128xbf16>, vector<128x128xf32> -> vector<128x128xf32>
    %get3A_383 = arith.constant 18 : index
    %get3A_384 = arith.constant 0 : index
    %get3A_385 = vector.load %arg3[%get3A_383, %get3A_384] : memref<100x128xf32, #tpu.memory_space<vmem>>, vector<1x128xf32>
    %get3A_386 = vector.shape_cast %get3A_385 : vector<1x128xf32> to vector<128xf32>
    %broadcast_in_dim3A_387 = vector.shape_cast %get3A_386 : vector<128xf32> to vector<1x128xf32>
    %add3A_388 = vector.broadcast %broadcast_in_dim3A_387 : vector<1x128xf32> to vector<128x128xf32>
    %add3A_389 = arith.addf %dot_general3A_382, %add3A_388 : vector<128x128xf32>
    %swap3A_390 = arith.constant 0 : index
    %swap3A_391 = arith.constant 2304 : index
    %swap3A_392 = vector.load %arg4[%swap3A_390, %swap3A_391] : memref<128x12800xf32, #tpu.memory_space<vmem>>, vector<128x128xf32>
    tpu.vector_store %arg4[%swap3A_390, %swap3A_391], %add3A_389 {strides = array<i32>} : memref<128x12800xf32, #tpu.memory_space<vmem>>, vector<128x128xf32>,
    %get3A_393 = arith.constant 0 : index
    %get3A_394 = arith.constant 2432 : index
    %get3A_395 = vector.load %arg1[%get3A_393, %get3A_394] : memref<128x12800xf32, #tpu.memory_space<vmem>>, vector<128x128xf32>
    %convert_element_type3A_396 = arith.truncf %get3A_395 : vector<128x128xf32> to vector<128x128xbf16>
    %get3A_397 = arith.constant 19 : index
    %get3A_398 = arith.constant 0 : index
    %get3A_399 = arith.constant 0 : index
    %get3A_400 = vector.load %arg2[%get3A_397, %get3A_398, %get3A_399] : memref<100x128x128xbf16, #tpu.memory_space<vmem>>, vector<1x128x128xbf16>
    %get3A_401 = vector.shape_cast %get3A_400 : vector<1x128x128xbf16> to vector<128x128xbf16>
    %dot_general3A_402 = arith.constant dense<0.000000e+00> : vector<128x128xf32>
    %dot_general3A_403 = tpu.matmul %convert_element_type3A_396, %get3A_401, %dot_general3A_402 {dimension_numbers = #tpu.dot_dimension_numbers<[1], [0], [0], [1], [0, 0, 1, 1], [], []>, transpose_lhs_hint = false} : vector<128x128xbf16>, vector<128x128xbf16>, vector<128x128xf32> -> vector<128x128xf32>
    %get3A_404 = arith.constant 19 : index
    %get3A_405 = arith.constant 0 : index
    %get3A_406 = vector.load %arg3[%get3A_404, %get3A_405] : memref<100x128xf32, #tpu.memory_space<vmem>>, vector<1x128xf32>
    %get3A_407 = vector.shape_cast %get3A_406 : vector<1x128xf32> to vector<128xf32>
    %broadcast_in_dim3A_408 = vector.shape_cast %get3A_407 : vector<128xf32> to vector<1x128xf32>
    %add3A_409 = vector.broadcast %broadcast_in_dim3A_408 : vector<1x128xf32> to vector<128x128xf32>
    %add3A_410 = arith.addf %dot_general3A_403, %add3A_409 : vector<128x128xf32>
    %swap3A_411 = arith.constant 0 : index
    %swap3A_412 = arith.constant 2432 : index
    %swap3A_413 = vector.load %arg4[%swap3A_411, %swap3A_412] : memref<128x12800xf32, #tpu.memory_space<vmem>>, vector<128x128xf32>
    tpu.vector_store %arg4[%swap3A_411, %swap3A_412], %add3A_410 {strides = array<i32>} : memref<128x12800xf32, #tpu.memory_space<vmem>>, vector<128x128xf32>,
    %get3A_414 = arith.constant 0 : index
    %get3A_415 = arith.constant 2560 : index
    %get3A_416 = vector.load %arg1[%get3A_414, %get3A_415] : memref<128x12800xf32, #tpu.memory_space<vmem>>, vector<128x128xf32>
    %convert_element_type3A_417 = arith.truncf %get3A_416 : vector<128x128xf32> to vector<128x128xbf16>
    %get3A_418 = arith.constant 20 : index
    %get3A_419 = arith.constant 0 : index
    %get3A_420 = arith.constant 0 : index
    %get3A_421 = vector.load %arg2[%get3A_418, %get3A_419, %get3A_420] : memref<100x128x128xbf16, #tpu.memory_space<vmem>>, vector<1x128x128xbf16>
    %get3A_422 = vector.shape_cast %get3A_421 : vector<1x128x128xbf16> to vector<128x128xbf16>
    %dot_general3A_423 = arith.constant dense<0.000000e+00> : vector<128x128xf32>
    %dot_general3A_424 = tpu.matmul %convert_element_type3A_417, %get3A_422, %dot_general3A_423 {dimension_numbers = #tpu.dot_dimension_numbers<[1], [0], [0], [1], [0, 0, 1, 1], [], []>, transpose_lhs_hint = false} : vector<128x128xbf16>, vector<128x128xbf16>, vector<128x128xf32> -> vector<128x128xf32>
    %get3A_425 = arith.constant 20 : index
    %get3A_426 = arith.constant 0 : index
    %get3A_427 = vector.load %arg3[%get3A_425, %get3A_426] : memref<100x128xf32, #tpu.memory_space<vmem>>, vector<1x128xf32>
    %get3A_428 = vector.shape_cast %get3A_427 : vector<1x128xf32> to vector<128xf32>
    %broadcast_in_dim3A_429 = vector.shape_cast %get3A_428 : vector<128xf32> to vector<1x128xf32>
    %add3A_430 = vector.broadcast %broadcast_in_dim3A_429 : vector<1x128xf32> to vector<128x128xf32>
    %add3A_431 = arith.addf %dot_general3A_424, %add3A_430 : vector<128x128xf32>
    %swap3A_432 = arith.constant 0 : index
    %swap3A_433 = arith.constant 2560 : index
    %swap3A_434 = vector.load %arg4[%swap3A_432, %swap3A_433] : memref<128x12800xf32, #tpu.memory_space<vmem>>, vector<128x128xf32>
    tpu.vector_store %arg4[%swap3A_432, %swap3A_433], %add3A_431 {strides = array<i32>} : memref<128x12800xf32, #tpu.memory_space<vmem>>, vector<128x128xf32>,
    %get3A_435 = arith.constant 0 : index
    %get3A_436 = arith.constant 2688 : index
    %get3A_437 = vector.load %arg1[%get3A_435, %get3A_436] : memref<128x12800xf32, #tpu.memory_space<vmem>>, vector<128x128xf32>
    %convert_element_type3A_438 = arith.truncf %get3A_437 : vector<128x128xf32> to vector<128x128xbf16>
    %get3A_439 = arith.constant 21 : index
    %get3A_440 = arith.constant 0 : index
    %get3A_441 = arith.constant 0 : index
    %get3A_442 = vector.load %arg2[%get3A_439, %get3A_440, %get3A_441] : memref<100x128x128xbf16, #tpu.memory_space<vmem>>, vector<1x128x128xbf16>
    %get3A_443 = vector.shape_cast %get3A_442 : vector<1x128x128xbf16> to vector<128x128xbf16>
    %dot_general3A_444 = arith.constant dense<0.000000e+00> : vector<128x128xf32>
    %dot_general3A_445 = tpu.matmul %convert_element_type3A_438, %get3A_443, %dot_general3A_444 {dimension_numbers = #tpu.dot_dimension_numbers<[1], [0], [0], [1], [0, 0, 1, 1], [], []>, transpose_lhs_hint = false} : vector<128x128xbf16>, vector<128x128xbf16>, vector<128x128xf32> -> vector<128x128xf32>
    %get3A_446 = arith.constant 21 : index
    %get3A_447 = arith.constant 0 : index
    %get3A_448 = vector.load %arg3[%get3A_446, %get3A_447] : memref<100x128xf32, #tpu.memory_space<vmem>>, vector<1x128xf32>
    %get3A_449 = vector.shape_cast %get3A_448 : vector<1x128xf32> to vector<128xf32>
    %broadcast_in_dim3A_450 = vector.shape_cast %get3A_449 : vector<128xf32> to vector<1x128xf32>
    %add3A_451 = vector.broadcast %broadcast_in_dim3A_450 : vector<1x128xf32> to vector<128x128xf32>
    %add3A_452 = arith.addf %dot_general3A_445, %add3A_451 : vector<128x128xf32>
    %swap3A_453 = arith.constant 0 : index
    %swap3A_454 = arith.constant 2688 : index
    %swap3A_455 = vector.load %arg4[%swap3A_453, %swap3A_454] : memref<128x12800xf32, #tpu.memory_space<vmem>>, vector<128x128xf32>
    tpu.vector_store %arg4[%swap3A_453, %swap3A_454], %add3A_452 {strides = array<i32>} : memref<128x12800xf32, #tpu.memory_space<vmem>>, vector<128x128xf32>,
    %get3A_456 = arith.constant 0 : index
    %get3A_457 = arith.constant 2816 : index
    %get3A_458 = vector.load %arg1[%get3A_456, %get3A_457] : memref<128x12800xf32, #tpu.memory_space<vmem>>, vector<128x128xf32>
    %convert_element_type3A_459 = arith.truncf %get3A_458 : vector<128x128xf32> to vector<128x128xbf16>
    %get3A_460 = arith.constant 22 : index
    %get3A_461 = arith.constant 0 : index
    %get3A_462 = arith.constant 0 : index
    %get3A_463 = vector.load %arg2[%get3A_460, %get3A_461, %get3A_462] : memref<100x128x128xbf16, #tpu.memory_space<vmem>>, vector<1x128x128xbf16>
    %get3A_464 = vector.shape_cast %get3A_463 : vector<1x128x128xbf16> to vector<128x128xbf16>
    %dot_general3A_465 = arith.constant dense<0.000000e+00> : vector<128x128xf32>
    %dot_general3A_466 = tpu.matmul %convert_element_type3A_459, %get3A_464, %dot_general3A_465 {dimension_numbers = #tpu.dot_dimension_numbers<[1], [0], [0], [1], [0, 0, 1, 1], [], []>, transpose_lhs_hint = false} : vector<128x128xbf16>, vector<128x128xbf16>, vector<128x128xf32> -> vector<128x128xf32>
    %get3A_467 = arith.constant 22 : index
    %get3A_468 = arith.constant 0 : index
    %get3A_469 = vector.load %arg3[%get3A_467, %get3A_468] : memref<100x128xf32, #tpu.memory_space<vmem>>, vector<1x128xf32>
    %get3A_470 = vector.shape_cast %get3A_469 : vector<1x128xf32> to vector<128xf32>
    %broadcast_in_dim3A_471 = vector.shape_cast %get3A_470 : vector<128xf32> to vector<1x128xf32>
    %add3A_472 = vector.broadcast %broadcast_in_dim3A_471 : vector<1x128xf32> to vector<128x128xf32>
    %add3A_473 = arith.addf %dot_general3A_466, %add3A_472 : vector<128x128xf32>
    %swap3A_474 = arith.constant 0 : index
    %swap3A_475 = arith.constant 2816 : index
    %swap3A_476 = vector.load %arg4[%swap3A_474, %swap3A_475] : memref<128x12800xf32, #tpu.memory_space<vmem>>, vector<128x128xf32>
    tpu.vector_store %arg4[%swap3A_474, %swap3A_475], %add3A_473 {strides = array<i32>} : memref<128x12800xf32, #tpu.memory_space<vmem>>, vector<128x128xf32>,
    %get3A_477 = arith.constant 0 : index
    %get3A_478 = arith.constant 2944 : index
    %get3A_479 = vector.load %arg1[%get3A_477, %get3A_478] : memref<128x12800xf32, #tpu.memory_space<vmem>>, vector<128x128xf32>
    %convert_element_type3A_480 = arith.truncf %get3A_479 : vector<128x128xf32> to vector<128x128xbf16>
    %get3A_481 = arith.constant 23 : index
    %get3A_482 = arith.constant 0 : index
    %get3A_483 = arith.constant 0 : index
    %get3A_484 = vector.load %arg2[%get3A_481, %get3A_482, %get3A_483] : memref<100x128x128xbf16, #tpu.memory_space<vmem>>, vector<1x128x128xbf16>
    %get3A_485 = vector.shape_cast %get3A_484 : vector<1x128x128xbf16> to vector<128x128xbf16>
    %dot_general3A_486 = arith.constant dense<0.000000e+00> : vector<128x128xf32>
    %dot_general3A_487 = tpu.matmul %convert_element_type3A_480, %get3A_485, %dot_general3A_486 {dimension_numbers = #tpu.dot_dimension_numbers<[1], [0], [0], [1], [0, 0, 1, 1], [], []>, transpose_lhs_hint = false} : vector<128x128xbf16>, vector<128x128xbf16>, vector<128x128xf32> -> vector<128x128xf32>
    %get3A_488 = arith.constant 23 : index
    %get3A_489 = arith.constant 0 : index
    %get3A_490 = vector.load %arg3[%get3A_488, %get3A_489] : memref<100x128xf32, #tpu.memory_space<vmem>>, vector<1x128xf32>
    %get3A_491 = vector.shape_cast %get3A_490 : vector<1x128xf32> to vector<128xf32>
    %broadcast_in_dim3A_492 = vector.shape_cast %get3A_491 : vector<128xf32> to vector<1x128xf32>
    %add3A_493 = vector.broadcast %broadcast_in_dim3A_492 : vector<1x128xf32> to vector<128x128xf32>
    %add3A_494 = arith.addf %dot_general3A_487, %add3A_493 : vector<128x128xf32>
    %swap3A_495 = arith.constant 0 : index
    %swap3A_496 = arith.constant 2944 : index
    %swap3A_497 = vector.load %arg4[%swap3A_495, %swap3A_496] : memref<128x12800xf32, #tpu.memory_space<vmem>>, vector<128x128xf32>
    tpu.vector_store %arg4[%swap3A_495, %swap3A_496], %add3A_494 {strides = array<i32>} : memref<128x12800xf32, #tpu.memory_space<vmem>>, vector<128x128xf32>,
    %get3A_498 = arith.constant 0 : index
    %get3A_499 = arith.constant 3072 : index
    %get3A_500 = vector.load %arg1[%get3A_498, %get3A_499] : memref<128x12800xf32, #tpu.memory_space<vmem>>, vector<128x128xf32>
    %convert_element_type3A_501 = arith.truncf %get3A_500 : vector<128x128xf32> to vector<128x128xbf16>
    %get3A_502 = arith.constant 24 : index
    %get3A_503 = arith.constant 0 : index
    %get3A_504 = arith.constant 0 : index
    %get3A_505 = vector.load %arg2[%get3A_502, %get3A_503, %get3A_504] : memref<100x128x128xbf16, #tpu.memory_space<vmem>>, vector<1x128x128xbf16>
    %get3A_506 = vector.shape_cast %get3A_505 : vector<1x128x128xbf16> to vector<128x128xbf16>
    %dot_general3A_507 = arith.constant dense<0.000000e+00> : vector<128x128xf32>
    %dot_general3A_508 = tpu.matmul %convert_element_type3A_501, %get3A_506, %dot_general3A_507 {dimension_numbers = #tpu.dot_dimension_numbers<[1], [0], [0], [1], [0, 0, 1, 1], [], []>, transpose_lhs_hint = false} : vector<128x128xbf16>, vector<128x128xbf16>, vector<128x128xf32> -> vector<128x128xf32>
    %get3A_509 = arith.constant 24 : index
    %get3A_510 = arith.constant 0 : index
    %get3A_511 = vector.load %arg3[%get3A_509, %get3A_510] : memref<100x128xf32, #tpu.memory_space<vmem>>, vector<1x128xf32>
    %get3A_512 = vector.shape_cast %get3A_511 : vector<1x128xf32> to vector<128xf32>
    %broadcast_in_dim3A_513 = vector.shape_cast %get3A_512 : vector<128xf32> to vector<1x128xf32>
    %add3A_514 = vector.broadcast %broadcast_in_dim3A_513 : vector<1x128xf32> to vector<128x128xf32>
    %add3A_515 = arith.addf %dot_general3A_508, %add3A_514 : vector<128x128xf32>
    %swap3A_516 = arith.constant 0 : index
    %swap3A_517 = arith.constant 3072 : index
    %swap3A_518 = vector.load %arg4[%swap3A_516, %swap3A_517] : memref<128x12800xf32, #tpu.memory_space<vmem>>, vector<128x128xf32>
    tpu.vector_store %arg4[%swap3A_516, %swap3A_517], %add3A_515 {strides = array<i32>} : memref<128x12800xf32, #tpu.memory_space<vmem>>, vector<128x128xf32>,
    %get3A_519 = arith.constant 0 : index
    %get3A_520 = arith.constant 3200 : index
    %get3A_521 = vector.load %arg1[%get3A_519, %get3A_520] : memref<128x12800xf32, #tpu.memory_space<vmem>>, vector<128x128xf32>
    %convert_element_type3A_522 = arith.truncf %get3A_521 : vector<128x128xf32> to vector<128x128xbf16>
    %get3A_523 = arith.constant 25 : index
    %get3A_524 = arith.constant 0 : index
    %get3A_525 = arith.constant 0 : index
    %get3A_526 = vector.load %arg2[%get3A_523, %get3A_524, %get3A_525] : memref<100x128x128xbf16, #tpu.memory_space<vmem>>, vector<1x128x128xbf16>
    %get3A_527 = vector.shape_cast %get3A_526 : vector<1x128x128xbf16> to vector<128x128xbf16>
    %dot_general3A_528 = arith.constant dense<0.000000e+00> : vector<128x128xf32>
    %dot_general3A_529 = tpu.matmul %convert_element_type3A_522, %get3A_527, %dot_general3A_528 {dimension_numbers = #tpu.dot_dimension_numbers<[1], [0], [0], [1], [0, 0, 1, 1], [], []>, transpose_lhs_hint = false} : vector<128x128xbf16>, vector<128x128xbf16>, vector<128x128xf32> -> vector<128x128xf32>
    %get3A_530 = arith.constant 25 : index
    %get3A_531 = arith.constant 0 : index
    %get3A_532 = vector.load %arg3[%get3A_530, %get3A_531] : memref<100x128xf32, #tpu.memory_space<vmem>>, vector<1x128xf32>
    %get3A_533 = vector.shape_cast %get3A_532 : vector<1x128xf32> to vector<128xf32>
    %broadcast_in_dim3A_534 = vector.shape_cast %get3A_533 : vector<128xf32> to vector<1x128xf32>
    %add3A_535 = vector.broadcast %broadcast_in_dim3A_534 : vector<1x128xf32> to vector<128x128xf32>
    %add3A_536 = arith.addf %dot_general3A_529, %add3A_535 : vector<128x128xf32>
    %swap3A_537 = arith.constant 0 : index
    %swap3A_538 = arith.constant 3200 : index
    %swap3A_539 = vector.load %arg4[%swap3A_537, %swap3A_538] : memref<128x12800xf32, #tpu.memory_space<vmem>>, vector<128x128xf32>
    tpu.vector_store %arg4[%swap3A_537, %swap3A_538], %add3A_536 {strides = array<i32>} : memref<128x12800xf32, #tpu.memory_space<vmem>>, vector<128x128xf32>,
    %get3A_540 = arith.constant 0 : index
    %get3A_541 = arith.constant 3328 : index
    %get3A_542 = vector.load %arg1[%get3A_540, %get3A_541] : memref<128x12800xf32, #tpu.memory_space<vmem>>, vector<128x128xf32>
    %convert_element_type3A_543 = arith.truncf %get3A_542 : vector<128x128xf32> to vector<128x128xbf16>
    %get3A_544 = arith.constant 26 : index
    %get3A_545 = arith.constant 0 : index
    %get3A_546 = arith.constant 0 : index
    %get3A_547 = vector.load %arg2[%get3A_544, %get3A_545, %get3A_546] : memref<100x128x128xbf16, #tpu.memory_space<vmem>>, vector<1x128x128xbf16>
    %get3A_548 = vector.shape_cast %get3A_547 : vector<1x128x128xbf16> to vector<128x128xbf16>
    %dot_general3A_549 = arith.constant dense<0.000000e+00> : vector<128x128xf32>
    %dot_general3A_550 = tpu.matmul %convert_element_type3A_543, %get3A_548, %dot_general3A_549 {dimension_numbers = #tpu.dot_dimension_numbers<[1], [0], [0], [1], [0, 0, 1, 1], [], []>, transpose_lhs_hint = false} : vector<128x128xbf16>, vector<128x128xbf16>, vector<128x128xf32> -> vector<128x128xf32>
    %get3A_551 = arith.constant 26 : index
    %get3A_552 = arith.constant 0 : index
    %get3A_553 = vector.load %arg3[%get3A_551, %get3A_552] : memref<100x128xf32, #tpu.memory_space<vmem>>, vector<1x128xf32>
    %get3A_554 = vector.shape_cast %get3A_553 : vector<1x128xf32> to vector<128xf32>
    %broadcast_in_dim3A_555 = vector.shape_cast %get3A_554 : vector<128xf32> to vector<1x128xf32>
    %add3A_556 = vector.broadcast %broadcast_in_dim3A_555 : vector<1x128xf32> to vector<128x128xf32>
    %add3A_557 = arith.addf %dot_general3A_550, %add3A_556 : vector<128x128xf32>
    %swap3A_558 = arith.constant 0 : index
    %swap3A_559 = arith.constant 3328 : index
    %swap3A_560 = vector.load %arg4[%swap3A_558, %swap3A_559] : memref<128x12800xf32, #tpu.memory_space<vmem>>, vector<128x128xf32>
    tpu.vector_store %arg4[%swap3A_558, %swap3A_559], %add3A_557 {strides = array<i32>} : memref<128x12800xf32, #tpu.memory_space<vmem>>, vector<128x128xf32>,
    %get3A_561 = arith.constant 0 : index
    %get3A_562 = arith.constant 3456 : index
    %get3A_563 = vector.load %arg1[%get3A_561, %get3A_562] : memref<128x12800xf32, #tpu.memory_space<vmem>>, vector<128x128xf32>
    %convert_element_type3A_564 = arith.truncf %get3A_563 : vector<128x128xf32> to vector<128x128xbf16>
    %get3A_565 = arith.constant 27 : index
    %get3A_566 = arith.constant 0 : index
    %get3A_567 = arith.constant 0 : index
    %get3A_568 = vector.load %arg2[%get3A_565, %get3A_566, %get3A_567] : memref<100x128x128xbf16, #tpu.memory_space<vmem>>, vector<1x128x128xbf16>
    %get3A_569 = vector.shape_cast %get3A_568 : vector<1x128x128xbf16> to vector<128x128xbf16>
    %dot_general3A_570 = arith.constant dense<0.000000e+00> : vector<128x128xf32>
    %dot_general3A_571 = tpu.matmul %convert_element_type3A_564, %get3A_569, %dot_general3A_570 {dimension_numbers = #tpu.dot_dimension_numbers<[1], [0], [0], [1], [0, 0, 1, 1], [], []>, transpose_lhs_hint = false} : vector<128x128xbf16>, vector<128x128xbf16>, vector<128x128xf32> -> vector<128x128xf32>
    %get3A_572 = arith.constant 27 : index
    %get3A_573 = arith.constant 0 : index
    %get3A_574 = vector.load %arg3[%get3A_572, %get3A_573] : memref<100x128xf32, #tpu.memory_space<vmem>>, vector<1x128xf32>
    %get3A_575 = vector.shape_cast %get3A_574 : vector<1x128xf32> to vector<128xf32>
    %broadcast_in_dim3A_576 = vector.shape_cast %get3A_575 : vector<128xf32> to vector<1x128xf32>
    %add3A_577 = vector.broadcast %broadcast_in_dim3A_576 : vector<1x128xf32> to vector<128x128xf32>
    %add3A_578 = arith.addf %dot_general3A_571, %add3A_577 : vector<128x128xf32>
    %swap3A_579 = arith.constant 0 : index
    %swap3A_580 = arith.constant 3456 : index
    %swap3A_581 = vector.load %arg4[%swap3A_579, %swap3A_580] : memref<128x12800xf32, #tpu.memory_space<vmem>>, vector<128x128xf32>
    tpu.vector_store %arg4[%swap3A_579, %swap3A_580], %add3A_578 {strides = array<i32>} : memref<128x12800xf32, #tpu.memory_space<vmem>>, vector<128x128xf32>,
    %get3A_582 = arith.constant 0 : index
    %get3A_583 = arith.constant 3584 : index
    %get3A_584 = vector.load %arg1[%get3A_582, %get3A_583] : memref<128x12800xf32, #tpu.memory_space<vmem>>, vector<128x128xf32>
    %convert_element_type3A_585 = arith.truncf %get3A_584 : vector<128x128xf32> to vector<128x128xbf16>
    %get3A_586 = arith.constant 28 : index
    %get3A_587 = arith.constant 0 : index
    %get3A_588 = arith.constant 0 : index
    %get3A_589 = vector.load %arg2[%get3A_586, %get3A_587, %get3A_588] : memref<100x128x128xbf16, #tpu.memory_space<vmem>>, vector<1x128x128xbf16>
    %get3A_590 = vector.shape_cast %get3A_589 : vector<1x128x128xbf16> to vector<128x128xbf16>
    %dot_general3A_591 = arith.constant dense<0.000000e+00> : vector<128x128xf32>
    %dot_general3A_592 = tpu.matmul %convert_element_type3A_585, %get3A_590, %dot_general3A_591 {dimension_numbers = #tpu.dot_dimension_numbers<[1], [0], [0], [1], [0, 0, 1, 1], [], []>, transpose_lhs_hint = false} : vector<128x128xbf16>, vector<128x128xbf16>, vector<128x128xf32> -> vector<128x128xf32>
    %get3A_593 = arith.constant 28 : index
    %get3A_594 = arith.constant 0 : index
    %get3A_595 = vector.load %arg3[%get3A_593, %get3A_594] : memref<100x128xf32, #tpu.memory_space<vmem>>, vector<1x128xf32>
    %get3A_596 = vector.shape_cast %get3A_595 : vector<1x128xf32> to vector<128xf32>
    %broadcast_in_dim3A_597 = vector.shape_cast %get3A_596 : vector<128xf32> to vector<1x128xf32>
    %add3A_598 = vector.broadcast %broadcast_in_dim3A_597 : vector<1x128xf32> to vector<128x128xf32>
    %add3A_599 = arith.addf %dot_general3A_592, %add3A_598 : vector<128x128xf32>
    %swap3A_600 = arith.constant 0 : index
    %swap3A_601 = arith.constant 3584 : index
    %swap3A_602 = vector.load %arg4[%swap3A_600, %swap3A_601] : memref<128x12800xf32, #tpu.memory_space<vmem>>, vector<128x128xf32>
    tpu.vector_store %arg4[%swap3A_600, %swap3A_601], %add3A_599 {strides = array<i32>} : memref<128x12800xf32, #tpu.memory_space<vmem>>, vector<128x128xf32>,
    %get3A_603 = arith.constant 0 : index
    %get3A_604 = arith.constant 3712 : index
    %get3A_605 = vector.load %arg1[%get3A_603, %get3A_604] : memref<128x12800xf32, #tpu.memory_space<vmem>>, vector<128x128xf32>
    %convert_element_type3A_606 = arith.truncf %get3A_605 : vector<128x128xf32> to vector<128x128xbf16>
    %get3A_607 = arith.constant 29 : index
    %get3A_608 = arith.constant 0 : index
    %get3A_609 = arith.constant 0 : index
    %get3A_610 = vector.load %arg2[%get3A_607, %get3A_608, %get3A_609] : memref<100x128x128xbf16, #tpu.memory_space<vmem>>, vector<1x128x128xbf16>
    %get3A_611 = vector.shape_cast %get3A_610 : vector<1x128x128xbf16> to vector<128x128xbf16>
    %dot_general3A_612 = arith.constant dense<0.000000e+00> : vector<128x128xf32>
    %dot_general3A_613 = tpu.matmul %convert_element_type3A_606, %get3A_611, %dot_general3A_612 {dimension_numbers = #tpu.dot_dimension_numbers<[1], [0], [0], [1], [0, 0, 1, 1], [], []>, transpose_lhs_hint = false} : vector<128x128xbf16>, vector<128x128xbf16>, vector<128x128xf32> -> vector<128x128xf32>
    %get3A_614 = arith.constant 29 : index
    %get3A_615 = arith.constant 0 : index
    %get3A_616 = vector.load %arg3[%get3A_614, %get3A_615] : memref<100x128xf32, #tpu.memory_space<vmem>>, vector<1x128xf32>
    %get3A_617 = vector.shape_cast %get3A_616 : vector<1x128xf32> to vector<128xf32>
    %broadcast_in_dim3A_618 = vector.shape_cast %get3A_617 : vector<128xf32> to vector<1x128xf32>
    %add3A_619 = vector.broadcast %broadcast_in_dim3A_618 : vector<1x128xf32> to vector<128x128xf32>
    %add3A_620 = arith.addf %dot_general3A_613, %add3A_619 : vector<128x128xf32>
    %swap3A_621 = arith.constant 0 : index
    %swap3A_622 = arith.constant 3712 : index
    %swap3A_623 = vector.load %arg4[%swap3A_621, %swap3A_622] : memref<128x12800xf32, #tpu.memory_space<vmem>>, vector<128x128xf32>
    tpu.vector_store %arg4[%swap3A_621, %swap3A_622], %add3A_620 {strides = array<i32>} : memref<128x12800xf32, #tpu.memory_space<vmem>>, vector<128x128xf32>,
    %get3A_624 = arith.constant 0 : index
    %get3A_625 = arith.constant 3840 : index
    %get3A_626 = vector.load %arg1[%get3A_624, %get3A_625] : memref<128x12800xf32, #tpu.memory_space<vmem>>, vector<128x128xf32>
    %convert_element_type3A_627 = arith.truncf %get3A_626 : vector<128x128xf32> to vector<128x128xbf16>
    %get3A_628 = arith.constant 30 : index
    %get3A_629 = arith.constant 0 : index
    %get3A_630 = arith.constant 0 : index
    %get3A_631 = vector.load %arg2[%get3A_628, %get3A_629, %get3A_630] : memref<100x128x128xbf16, #tpu.memory_space<vmem>>, vector<1x128x128xbf16>
    %get3A_632 = vector.shape_cast %get3A_631 : vector<1x128x128xbf16> to vector<128x128xbf16>
    %dot_general3A_633 = arith.constant dense<0.000000e+00> : vector<128x128xf32>
    %dot_general3A_634 = tpu.matmul %convert_element_type3A_627, %get3A_632, %dot_general3A_633 {dimension_numbers = #tpu.dot_dimension_numbers<[1], [0], [0], [1], [0, 0, 1, 1], [], []>, transpose_lhs_hint = false} : vector<128x128xbf16>, vector<128x128xbf16>, vector<128x128xf32> -> vector<128x128xf32>
    %get3A_635 = arith.constant 30 : index
    %get3A_636 = arith.constant 0 : index
    %get3A_637 = vector.load %arg3[%get3A_635, %get3A_636] : memref<100x128xf32, #tpu.memory_space<vmem>>, vector<1x128xf32>
    %get3A_638 = vector.shape_cast %get3A_637 : vector<1x128xf32> to vector<128xf32>
    %broadcast_in_dim3A_639 = vector.shape_cast %get3A_638 : vector<128xf32> to vector<1x128xf32>
    %add3A_640 = vector.broadcast %broadcast_in_dim3A_639 : vector<1x128xf32> to vector<128x128xf32>
    %add3A_641 = arith.addf %dot_general3A_634, %add3A_640 : vector<128x128xf32>
    %swap3A_642 = arith.constant 0 : index
    %swap3A_643 = arith.constant 3840 : index
    %swap3A_644 = vector.load %arg4[%swap3A_642, %swap3A_643] : memref<128x12800xf32, #tpu.memory_space<vmem>>, vector<128x128xf32>
    tpu.vector_store %arg4[%swap3A_642, %swap3A_643], %add3A_641 {strides = array<i32>} : memref<128x12800xf32, #tpu.memory_space<vmem>>, vector<128x128xf32>,
    %get3A_645 = arith.constant 0 : index
    %get3A_646 = arith.constant 3968 : index
    %get3A_647 = vector.load %arg1[%get3A_645, %get3A_646] : memref<128x12800xf32, #tpu.memory_space<vmem>>, vector<128x128xf32>
    %convert_element_type3A_648 = arith.truncf %get3A_647 : vector<128x128xf32> to vector<128x128xbf16>
    %get3A_649 = arith.constant 31 : index
    %get3A_650 = arith.constant 0 : index
    %get3A_651 = arith.constant 0 : index
    %get3A_652 = vector.load %arg2[%get3A_649, %get3A_650, %get3A_651] : memref<100x128x128xbf16, #tpu.memory_space<vmem>>, vector<1x128x128xbf16>
    %get3A_653 = vector.shape_cast %get3A_652 : vector<1x128x128xbf16> to vector<128x128xbf16>
    %dot_general3A_654 = arith.constant dense<0.000000e+00> : vector<128x128xf32>
    %dot_general3A_655 = tpu.matmul %convert_element_type3A_648, %get3A_653, %dot_general3A_654 {dimension_numbers = #tpu.dot_dimension_numbers<[1], [0], [0], [1], [0, 0, 1, 1], [], []>, transpose_lhs_hint = false} : vector<128x128xbf16>, vector<128x128xbf16>, vector<128x128xf32> -> vector<128x128xf32>
    %get3A_656 = arith.constant 31 : index
    %get3A_657 = arith.constant 0 : index
    %get3A_658 = vector.load %arg3[%get3A_656, %get3A_657] : memref<100x128xf32, #tpu.memory_space<vmem>>, vector<1x128xf32>
    %get3A_659 = vector.shape_cast %get3A_658 : vector<1x128xf32> to vector<128xf32>
    %broadcast_in_dim3A_660 = vector.shape_cast %get3A_659 : vector<128xf32> to vector<1x128xf32>
    %add3A_661 = vector.broadcast %broadcast_in_dim3A_660 : vector<1x128xf32> to vector<128x128xf32>
    %add3A_662 = arith.addf %dot_general3A_655, %add3A_661 : vector<128x128xf32>
    %swap3A_663 = arith.constant 0 : index
    %swap3A_664 = arith.constant 3968 : index
    %swap3A_665 = vector.load %arg4[%swap3A_663, %swap3A_664] : memref<128x12800xf32, #tpu.memory_space<vmem>>, vector<128x128xf32>
    tpu.vector_store %arg4[%swap3A_663, %swap3A_664], %add3A_662 {strides = array<i32>} : memref<128x12800xf32, #tpu.memory_space<vmem>>, vector<128x128xf32>,
    %get3A_666 = arith.constant 0 : index
    %get3A_667 = arith.constant 4096 : index
    %get3A_668 = vector.load %arg1[%get3A_666, %get3A_667] : memref<128x12800xf32, #tpu.memory_space<vmem>>, vector<128x128xf32>
    %convert_element_type3A_669 = arith.truncf %get3A_668 : vector<128x128xf32> to vector<128x128xbf16>
    %get3A_670 = arith.constant 32 : index
    %get3A_671 = arith.constant 0 : index
    %get3A_672 = arith.constant 0 : index
    %get3A_673 = vector.load %arg2[%get3A_670, %get3A_671, %get3A_672] : memref<100x128x128xbf16, #tpu.memory_space<vmem>>, vector<1x128x128xbf16>
    %get3A_674 = vector.shape_cast %get3A_673 : vector<1x128x128xbf16> to vector<128x128xbf16>
    %dot_general3A_675 = arith.constant dense<0.000000e+00> : vector<128x128xf32>
    %dot_general3A_676 = tpu.matmul %convert_element_type3A_669, %get3A_674, %dot_general3A_675 {dimension_numbers = #tpu.dot_dimension_numbers<[1], [0], [0], [1], [0, 0, 1, 1], [], []>, transpose_lhs_hint = false} : vector<128x128xbf16>, vector<128x128xbf16>, vector<128x128xf32> -> vector<128x128xf32>
    %get3A_677 = arith.constant 32 : index
    %get3A_678 = arith.constant 0 : index
    %get3A_679 = vector.load %arg3[%get3A_677, %get3A_678] : memref<100x128xf32, #tpu.memory_space<vmem>>, vector<1x128xf32>
    %get3A_680 = vector.shape_cast %get3A_679 : vector<1x128xf32> to vector<128xf32>
    %broadcast_in_dim3A_681 = vector.shape_cast %get3A_680 : vector<128xf32> to vector<1x128xf32>
    %add3A_682 = vector.broadcast %broadcast_in_dim3A_681 : vector<1x128xf32> to vector<128x128xf32>
    %add3A_683 = arith.addf %dot_general3A_676, %add3A_682 : vector<128x128xf32>
    %swap3A_684 = arith.constant 0 : index
    %swap3A_685 = arith.constant 4096 : index
    %swap3A_686 = vector.load %arg4[%swap3A_684, %swap3A_685] : memref<128x12800xf32, #tpu.memory_space<vmem>>, vector<128x128xf32>
    tpu.vector_store %arg4[%swap3A_684, %swap3A_685], %add3A_683 {strides = array<i32>} : memref<128x12800xf32, #tpu.memory_space<vmem>>, vector<128x128xf32>,
    %get3A_687 = arith.constant 0 : index
    %get3A_688 = arith.constant 4224 : index
    %get3A_689 = vector.load %arg1[%get3A_687, %get3A_688] : memref<128x12800xf32, #tpu.memory_space<vmem>>, vector<128x128xf32>
    %convert_element_type3A_690 = arith.truncf %get3A_689 : vector<128x128xf32> to vector<128x128xbf16>
    %get3A_691 = arith.constant 33 : index
    %get3A_692 = arith.constant 0 : index
    %get3A_693 = arith.constant 0 : index
    %get3A_694 = vector.load %arg2[%get3A_691, %get3A_692, %get3A_693] : memref<100x128x128xbf16, #tpu.memory_space<vmem>>, vector<1x128x128xbf16>
    %get3A_695 = vector.shape_cast %get3A_694 : vector<1x128x128xbf16> to vector<128x128xbf16>
    %dot_general3A_696 = arith.constant dense<0.000000e+00> : vector<128x128xf32>
    %dot_general3A_697 = tpu.matmul %convert_element_type3A_690, %get3A_695, %dot_general3A_696 {dimension_numbers = #tpu.dot_dimension_numbers<[1], [0], [0], [1], [0, 0, 1, 1], [], []>, transpose_lhs_hint = false} : vector<128x128xbf16>, vector<128x128xbf16>, vector<128x128xf32> -> vector<128x128xf32>
    %get3A_698 = arith.constant 33 : index
    %get3A_699 = arith.constant 0 : index
    %get3A_700 = vector.load %arg3[%get3A_698, %get3A_699] : memref<100x128xf32, #tpu.memory_space<vmem>>, vector<1x128xf32>
    %get3A_701 = vector.shape_cast %get3A_700 : vector<1x128xf32> to vector<128xf32>
    %broadcast_in_dim3A_702 = vector.shape_cast %get3A_701 : vector<128xf32> to vector<1x128xf32>
    %add3A_703 = vector.broadcast %broadcast_in_dim3A_702 : vector<1x128xf32> to vector<128x128xf32>
    %add3A_704 = arith.addf %dot_general3A_697, %add3A_703 : vector<128x128xf32>
    %swap3A_705 = arith.constant 0 : index
    %swap3A_706 = arith.constant 4224 : index
    %swap3A_707 = vector.load %arg4[%swap3A_705, %swap3A_706] : memref<128x12800xf32, #tpu.memory_space<vmem>>, vector<128x128xf32>
    tpu.vector_store %arg4[%swap3A_705, %swap3A_706], %add3A_704 {strides = array<i32>} : memref<128x12800xf32, #tpu.memory_space<vmem>>, vector<128x128xf32>,
    %get3A_708 = arith.constant 0 : index
    %get3A_709 = arith.constant 4352 : index
    %get3A_710 = vector.load %arg1[%get3A_708, %get3A_709] : memref<128x12800xf32, #tpu.memory_space<vmem>>, vector<128x128xf32>
    %convert_element_type3A_711 = arith.truncf %get3A_710 : vector<128x128xf32> to vector<128x128xbf16>
    %get3A_712 = arith.constant 34 : index
    %get3A_713 = arith.constant 0 : index
    %get3A_714 = arith.constant 0 : index
    %get3A_715 = vector.load %arg2[%get3A_712, %get3A_713, %get3A_714] : memref<100x128x128xbf16, #tpu.memory_space<vmem>>, vector<1x128x128xbf16>
    %get3A_716 = vector.shape_cast %get3A_715 : vector<1x128x128xbf16> to vector<128x128xbf16>
    %dot_general3A_717 = arith.constant dense<0.000000e+00> : vector<128x128xf32>
    %dot_general3A_718 = tpu.matmul %convert_element_type3A_711, %get3A_716, %dot_general3A_717 {dimension_numbers = #tpu.dot_dimension_numbers<[1], [0], [0], [1], [0, 0, 1, 1], [], []>, transpose_lhs_hint = false} : vector<128x128xbf16>, vector<128x128xbf16>, vector<128x128xf32> -> vector<128x128xf32>
    %get3A_719 = arith.constant 34 : index
    %get3A_720 = arith.constant 0 : index
    %get3A_721 = vector.load %arg3[%get3A_719, %get3A_720] : memref<100x128xf32, #tpu.memory_space<vmem>>, vector<1x128xf32>
    %get3A_722 = vector.shape_cast %get3A_721 : vector<1x128xf32> to vector<128xf32>
    %broadcast_in_dim3A_723 = vector.shape_cast %get3A_722 : vector<128xf32> to vector<1x128xf32>
    %add3A_724 = vector.broadcast %broadcast_in_dim3A_723 : vector<1x128xf32> to vector<128x128xf32>
    %add3A_725 = arith.addf %dot_general3A_718, %add3A_724 : vector<128x128xf32>
    %swap3A_726 = arith.constant 0 : index
    %swap3A_727 = arith.constant 4352 : index
    %swap3A_728 = vector.load %arg4[%swap3A_726, %swap3A_727] : memref<128x12800xf32, #tpu.memory_space<vmem>>, vector<128x128xf32>
    tpu.vector_store %arg4[%swap3A_726, %swap3A_727], %add3A_725 {strides = array<i32>} : memref<128x12800xf32, #tpu.memory_space<vmem>>, vector<128x128xf32>,
    %get3A_729 = arith.constant 0 : index
    %get3A_730 = arith.constant 4480 : index
    %get3A_731 = vector.load %arg1[%get3A_729, %get3A_730] : memref<128x12800xf32, #tpu.memory_space<vmem>>, vector<128x128xf32>
    %convert_element_type3A_732 = arith.truncf %get3A_731 : vector<128x128xf32> to vector<128x128xbf16>
    %get3A_733 = arith.constant 35 : index
    %get3A_734 = arith.constant 0 : index
    %get3A_735 = arith.constant 0 : index
    %get3A_736 = vector.load %arg2[%get3A_733, %get3A_734, %get3A_735] : memref<100x128x128xbf16, #tpu.memory_space<vmem>>, vector<1x128x128xbf16>
    %get3A_737 = vector.shape_cast %get3A_736 : vector<1x128x128xbf16> to vector<128x128xbf16>
    %dot_general3A_738 = arith.constant dense<0.000000e+00> : vector<128x128xf32>
    %dot_general3A_739 = tpu.matmul %convert_element_type3A_732, %get3A_737, %dot_general3A_738 {dimension_numbers = #tpu.dot_dimension_numbers<[1], [0], [0], [1], [0, 0, 1, 1], [], []>, transpose_lhs_hint = false} : vector<128x128xbf16>, vector<128x128xbf16>, vector<128x128xf32> -> vector<128x128xf32>
    %get3A_740 = arith.constant 35 : index
    %get3A_741 = arith.constant 0 : index
    %get3A_742 = vector.load %arg3[%get3A_740, %get3A_741] : memref<100x128xf32, #tpu.memory_space<vmem>>, vector<1x128xf32>
    %get3A_743 = vector.shape_cast %get3A_742 : vector<1x128xf32> to vector<128xf32>
    %broadcast_in_dim3A_744 = vector.shape_cast %get3A_743 : vector<128xf32> to vector<1x128xf32>
    %add3A_745 = vector.broadcast %broadcast_in_dim3A_744 : vector<1x128xf32> to vector<128x128xf32>
    %add3A_746 = arith.addf %dot_general3A_739, %add3A_745 : vector<128x128xf32>
    %swap3A_747 = arith.constant 0 : index
    %swap3A_748 = arith.constant 4480 : index
    %swap3A_749 = vector.load %arg4[%swap3A_747, %swap3A_748] : memref<128x12800xf32, #tpu.memory_space<vmem>>, vector<128x128xf32>
    tpu.vector_store %arg4[%swap3A_747, %swap3A_748], %add3A_746 {strides = array<i32>} : memref<128x12800xf32, #tpu.memory_space<vmem>>, vector<128x128xf32>,
    %get3A_750 = arith.constant 0 : index
    %get3A_751 = arith.constant 4608 : index
    %get3A_752 = vector.load %arg1[%get3A_750, %get3A_751] : memref<128x12800xf32, #tpu.memory_space<vmem>>, vector<128x128xf32>
    %convert_element_type3A_753 = arith.truncf %get3A_752 : vector<128x128xf32> to vector<128x128xbf16>
    %get3A_754 = arith.constant 36 : index
    %get3A_755 = arith.constant 0 : index
    %get3A_756 = arith.constant 0 : index
    %get3A_757 = vector.load %arg2[%get3A_754, %get3A_755, %get3A_756] : memref<100x128x128xbf16, #tpu.memory_space<vmem>>, vector<1x128x128xbf16>
    %get3A_758 = vector.shape_cast %get3A_757 : vector<1x128x128xbf16> to vector<128x128xbf16>
    %dot_general3A_759 = arith.constant dense<0.000000e+00> : vector<128x128xf32>
    %dot_general3A_760 = tpu.matmul %convert_element_type3A_753, %get3A_758, %dot_general3A_759 {dimension_numbers = #tpu.dot_dimension_numbers<[1], [0], [0], [1], [0, 0, 1, 1], [], []>, transpose_lhs_hint = false} : vector<128x128xbf16>, vector<128x128xbf16>, vector<128x128xf32> -> vector<128x128xf32>
    %get3A_761 = arith.constant 36 : index
    %get3A_762 = arith.constant 0 : index
    %get3A_763 = vector.load %arg3[%get3A_761, %get3A_762] : memref<100x128xf32, #tpu.memory_space<vmem>>, vector<1x128xf32>
    %get3A_764 = vector.shape_cast %get3A_763 : vector<1x128xf32> to vector<128xf32>
    %broadcast_in_dim3A_765 = vector.shape_cast %get3A_764 : vector<128xf32> to vector<1x128xf32>
    %add3A_766 = vector.broadcast %broadcast_in_dim3A_765 : vector<1x128xf32> to vector<128x128xf32>
    %add3A_767 = arith.addf %dot_general3A_760, %add3A_766 : vector<128x128xf32>
    %swap3A_768 = arith.constant 0 : index
    %swap3A_769 = arith.constant 4608 : index
    %swap3A_770 = vector.load %arg4[%swap3A_768, %swap3A_769] : memref<128x12800xf32, #tpu.memory_space<vmem>>, vector<128x128xf32>
    tpu.vector_store %arg4[%swap3A_768, %swap3A_769], %add3A_767 {strides = array<i32>} : memref<128x12800xf32, #tpu.memory_space<vmem>>, vector<128x128xf32>,
    %get3A_771 = arith.constant 0 : index
    %get3A_772 = arith.constant 4736 : index
    %get3A_773 = vector.load %arg1[%get3A_771, %get3A_772] : memref<128x12800xf32, #tpu.memory_space<vmem>>, vector<128x128xf32>
    %convert_element_type3A_774 = arith.truncf %get3A_773 : vector<128x128xf32> to vector<128x128xbf16>
    %get3A_775 = arith.constant 37 : index
    %get3A_776 = arith.constant 0 : index
    %get3A_777 = arith.constant 0 : index
    %get3A_778 = vector.load %arg2[%get3A_775, %get3A_776, %get3A_777] : memref<100x128x128xbf16, #tpu.memory_space<vmem>>, vector<1x128x128xbf16>
    %get3A_779 = vector.shape_cast %get3A_778 : vector<1x128x128xbf16> to vector<128x128xbf16>
    %dot_general3A_780 = arith.constant dense<0.000000e+00> : vector<128x128xf32>
    %dot_general3A_781 = tpu.matmul %convert_element_type3A_774, %get3A_779, %dot_general3A_780 {dimension_numbers = #tpu.dot_dimension_numbers<[1], [0], [0], [1], [0, 0, 1, 1], [], []>, transpose_lhs_hint = false} : vector<128x128xbf16>, vector<128x128xbf16>, vector<128x128xf32> -> vector<128x128xf32>
    %get3A_782 = arith.constant 37 : index
    %get3A_783 = arith.constant 0 : index
    %get3A_784 = vector.load %arg3[%get3A_782, %get3A_783] : memref<100x128xf32, #tpu.memory_space<vmem>>, vector<1x128xf32>
    %get3A_785 = vector.shape_cast %get3A_784 : vector<1x128xf32> to vector<128xf32>
    %broadcast_in_dim3A_786 = vector.shape_cast %get3A_785 : vector<128xf32> to vector<1x128xf32>
    %add3A_787 = vector.broadcast %broadcast_in_dim3A_786 : vector<1x128xf32> to vector<128x128xf32>
    %add3A_788 = arith.addf %dot_general3A_781, %add3A_787 : vector<128x128xf32>
    %swap3A_789 = arith.constant 0 : index
    %swap3A_790 = arith.constant 4736 : index
    %swap3A_791 = vector.load %arg4[%swap3A_789, %swap3A_790] : memref<128x12800xf32, #tpu.memory_space<vmem>>, vector<128x128xf32>
    tpu.vector_store %arg4[%swap3A_789, %swap3A_790], %add3A_788 {strides = array<i32>} : memref<128x12800xf32, #tpu.memory_space<vmem>>, vector<128x128xf32>,
    %get3A_792 = arith.constant 0 : index
    %get3A_793 = arith.constant 4864 : index
    %get3A_794 = vector.load %arg1[%get3A_792, %get3A_793] : memref<128x12800xf32, #tpu.memory_space<vmem>>, vector<128x128xf32>
    %convert_element_type3A_795 = arith.truncf %get3A_794 : vector<128x128xf32> to vector<128x128xbf16>
    %get3A_796 = arith.constant 38 : index
    %get3A_797 = arith.constant 0 : index
    %get3A_798 = arith.constant 0 : index
    %get3A_799 = vector.load %arg2[%get3A_796, %get3A_797, %get3A_798] : memref<100x128x128xbf16, #tpu.memory_space<vmem>>, vector<1x128x128xbf16>
    %get3A_800 = vector.shape_cast %get3A_799 : vector<1x128x128xbf16> to vector<128x128xbf16>
    %dot_general3A_801 = arith.constant dense<0.000000e+00> : vector<128x128xf32>
    %dot_general3A_802 = tpu.matmul %convert_element_type3A_795, %get3A_800, %dot_general3A_801 {dimension_numbers = #tpu.dot_dimension_numbers<[1], [0], [0], [1], [0, 0, 1, 1], [], []>, transpose_lhs_hint = false} : vector<128x128xbf16>, vector<128x128xbf16>, vector<128x128xf32> -> vector<128x128xf32>
    %get3A_803 = arith.constant 38 : index
    %get3A_804 = arith.constant 0 : index
    %get3A_805 = vector.load %arg3[%get3A_803, %get3A_804] : memref<100x128xf32, #tpu.memory_space<vmem>>, vector<1x128xf32>
    %get3A_806 = vector.shape_cast %get3A_805 : vector<1x128xf32> to vector<128xf32>
    %broadcast_in_dim3A_807 = vector.shape_cast %get3A_806 : vector<128xf32> to vector<1x128xf32>
    %add3A_808 = vector.broadcast %broadcast_in_dim3A_807 : vector<1x128xf32> to vector<128x128xf32>
    %add3A_809 = arith.addf %dot_general3A_802, %add3A_808 : vector<128x128xf32>
    %swap3A_810 = arith.constant 0 : index
    %swap3A_811 = arith.constant 4864 : index
    %swap3A_812 = vector.load %arg4[%swap3A_810, %swap3A_811] : memref<128x12800xf32, #tpu.memory_space<vmem>>, vector<128x128xf32>
    tpu.vector_store %arg4[%swap3A_810, %swap3A_811], %add3A_809 {strides = array<i32>} : memref<128x12800xf32, #tpu.memory_space<vmem>>, vector<128x128xf32>,
    %get3A_813 = arith.constant 0 : index
    %get3A_814 = arith.constant 4992 : index
    %get3A_815 = vector.load %arg1[%get3A_813, %get3A_814] : memref<128x12800xf32, #tpu.memory_space<vmem>>, vector<128x128xf32>
    %convert_element_type3A_816 = arith.truncf %get3A_815 : vector<128x128xf32> to vector<128x128xbf16>
    %get3A_817 = arith.constant 39 : index
    %get3A_818 = arith.constant 0 : index
    %get3A_819 = arith.constant 0 : index
    %get3A_820 = vector.load %arg2[%get3A_817, %get3A_818, %get3A_819] : memref<100x128x128xbf16, #tpu.memory_space<vmem>>, vector<1x128x128xbf16>
    %get3A_821 = vector.shape_cast %get3A_820 : vector<1x128x128xbf16> to vector<128x128xbf16>
    %dot_general3A_822 = arith.constant dense<0.000000e+00> : vector<128x128xf32>
    %dot_general3A_823 = tpu.matmul %convert_element_type3A_816, %get3A_821, %dot_general3A_822 {dimension_numbers = #tpu.dot_dimension_numbers<[1], [0], [0], [1], [0, 0, 1, 1], [], []>, transpose_lhs_hint = false} : vector<128x128xbf16>, vector<128x128xbf16>, vector<128x128xf32> -> vector<128x128xf32>
    %get3A_824 = arith.constant 39 : index
    %get3A_825 = arith.constant 0 : index
    %get3A_826 = vector.load %arg3[%get3A_824, %get3A_825] : memref<100x128xf32, #tpu.memory_space<vmem>>, vector<1x128xf32>
    %get3A_827 = vector.shape_cast %get3A_826 : vector<1x128xf32> to vector<128xf32>
    %broadcast_in_dim3A_828 = vector.shape_cast %get3A_827 : vector<128xf32> to vector<1x128xf32>
    %add3A_829 = vector.broadcast %broadcast_in_dim3A_828 : vector<1x128xf32> to vector<128x128xf32>
    %add3A_830 = arith.addf %dot_general3A_823, %add3A_829 : vector<128x128xf32>
    %swap3A_831 = arith.constant 0 : index
    %swap3A_832 = arith.constant 4992 : index
    %swap3A_833 = vector.load %arg4[%swap3A_831, %swap3A_832] : memref<128x12800xf32, #tpu.memory_space<vmem>>, vector<128x128xf32>
    tpu.vector_store %arg4[%swap3A_831, %swap3A_832], %add3A_830 {strides = array<i32>} : memref<128x12800xf32, #tpu.memory_space<vmem>>, vector<128x128xf32>,
    %get3A_834 = arith.constant 0 : index
    %get3A_835 = arith.constant 5120 : index
    %get3A_836 = vector.load %arg1[%get3A_834, %get3A_835] : memref<128x12800xf32, #tpu.memory_space<vmem>>, vector<128x128xf32>
    %convert_element_type3A_837 = arith.truncf %get3A_836 : vector<128x128xf32> to vector<128x128xbf16>
    %get3A_838 = arith.constant 40 : index
    %get3A_839 = arith.constant 0 : index
    %get3A_840 = arith.constant 0 : index
    %get3A_841 = vector.load %arg2[%get3A_838, %get3A_839, %get3A_840] : memref<100x128x128xbf16, #tpu.memory_space<vmem>>, vector<1x128x128xbf16>
    %get3A_842 = vector.shape_cast %get3A_841 : vector<1x128x128xbf16> to vector<128x128xbf16>
    %dot_general3A_843 = arith.constant dense<0.000000e+00> : vector<128x128xf32>
    %dot_general3A_844 = tpu.matmul %convert_element_type3A_837, %get3A_842, %dot_general3A_843 {dimension_numbers = #tpu.dot_dimension_numbers<[1], [0], [0], [1], [0, 0, 1, 1], [], []>, transpose_lhs_hint = false} : vector<128x128xbf16>, vector<128x128xbf16>, vector<128x128xf32> -> vector<128x128xf32>
    %get3A_845 = arith.constant 40 : index
    %get3A_846 = arith.constant 0 : index
    %get3A_847 = vector.load %arg3[%get3A_845, %get3A_846] : memref<100x128xf32, #tpu.memory_space<vmem>>, vector<1x128xf32>
    %get3A_848 = vector.shape_cast %get3A_847 : vector<1x128xf32> to vector<128xf32>
    %broadcast_in_dim3A_849 = vector.shape_cast %get3A_848 : vector<128xf32> to vector<1x128xf32>
    %add3A_850 = vector.broadcast %broadcast_in_dim3A_849 : vector<1x128xf32> to vector<128x128xf32>
    %add3A_851 = arith.addf %dot_general3A_844, %add3A_850 : vector<128x128xf32>
    %swap3A_852 = arith.constant 0 : index
    %swap3A_853 = arith.constant 5120 : index
    %swap3A_854 = vector.load %arg4[%swap3A_852, %swap3A_853] : memref<128x12800xf32, #tpu.memory_space<vmem>>, vector<128x128xf32>
    tpu.vector_store %arg4[%swap3A_852, %swap3A_853], %add3A_851 {strides = array<i32>} : memref<128x12800xf32, #tpu.memory_space<vmem>>, vector<128x128xf32>,
    %get3A_855 = arith.constant 0 : index
    %get3A_856 = arith.constant 5248 : index
    %get3A_857 = vector.load %arg1[%get3A_855, %get3A_856] : memref<128x12800xf32, #tpu.memory_space<vmem>>, vector<128x128xf32>
    %convert_element_type3A_858 = arith.truncf %get3A_857 : vector<128x128xf32> to vector<128x128xbf16>
    %get3A_859 = arith.constant 41 : index
    %get3A_860 = arith.constant 0 : index
    %get3A_861 = arith.constant 0 : index
    %get3A_862 = vector.load %arg2[%get3A_859, %get3A_860, %get3A_861] : memref<100x128x128xbf16, #tpu.memory_space<vmem>>, vector<1x128x128xbf16>
    %get3A_863 = vector.shape_cast %get3A_862 : vector<1x128x128xbf16> to vector<128x128xbf16>
    %dot_general3A_864 = arith.constant dense<0.000000e+00> : vector<128x128xf32>
    %dot_general3A_865 = tpu.matmul %convert_element_type3A_858, %get3A_863, %dot_general3A_864 {dimension_numbers = #tpu.dot_dimension_numbers<[1], [0], [0], [1], [0, 0, 1, 1], [], []>, transpose_lhs_hint = false} : vector<128x128xbf16>, vector<128x128xbf16>, vector<128x128xf32> -> vector<128x128xf32>
    %get3A_866 = arith.constant 41 : index
    %get3A_867 = arith.constant 0 : index
    %get3A_868 = vector.load %arg3[%get3A_866, %get3A_867] : memref<100x128xf32, #tpu.memory_space<vmem>>, vector<1x128xf32>
    %get3A_869 = vector.shape_cast %get3A_868 : vector<1x128xf32> to vector<128xf32>
    %broadcast_in_dim3A_870 = vector.shape_cast %get3A_869 : vector<128xf32> to vector<1x128xf32>
    %add3A_871 = vector.broadcast %broadcast_in_dim3A_870 : vector<1x128xf32> to vector<128x128xf32>
    %add3A_872 = arith.addf %dot_general3A_865, %add3A_871 : vector<128x128xf32>
    %swap3A_873 = arith.constant 0 : index
    %swap3A_874 = arith.constant 5248 : index
    %swap3A_875 = vector.load %arg4[%swap3A_873, %swap3A_874] : memref<128x12800xf32, #tpu.memory_space<vmem>>, vector<128x128xf32>
    tpu.vector_store %arg4[%swap3A_873, %swap3A_874], %add3A_872 {strides = array<i32>} : memref<128x12800xf32, #tpu.memory_space<vmem>>, vector<128x128xf32>,
    %get3A_876 = arith.constant 0 : index
    %get3A_877 = arith.constant 5376 : index
    %get3A_878 = vector.load %arg1[%get3A_876, %get3A_877] : memref<128x12800xf32, #tpu.memory_space<vmem>>, vector<128x128xf32>
    %convert_element_type3A_879 = arith.truncf %get3A_878 : vector<128x128xf32> to vector<128x128xbf16>
    %get3A_880 = arith.constant 42 : index
    %get3A_881 = arith.constant 0 : index
    %get3A_882 = arith.constant 0 : index
    %get3A_883 = vector.load %arg2[%get3A_880, %get3A_881, %get3A_882] : memref<100x128x128xbf16, #tpu.memory_space<vmem>>, vector<1x128x128xbf16>
    %get3A_884 = vector.shape_cast %get3A_883 : vector<1x128x128xbf16> to vector<128x128xbf16>
    %dot_general3A_885 = arith.constant dense<0.000000e+00> : vector<128x128xf32>
    %dot_general3A_886 = tpu.matmul %convert_element_type3A_879, %get3A_884, %dot_general3A_885 {dimension_numbers = #tpu.dot_dimension_numbers<[1], [0], [0], [1], [0, 0, 1, 1], [], []>, transpose_lhs_hint = false} : vector<128x128xbf16>, vector<128x128xbf16>, vector<128x128xf32> -> vector<128x128xf32>
    %get3A_887 = arith.constant 42 : index
    %get3A_888 = arith.constant 0 : index
    %get3A_889 = vector.load %arg3[%get3A_887, %get3A_888] : memref<100x128xf32, #tpu.memory_space<vmem>>, vector<1x128xf32>
    %get3A_890 = vector.shape_cast %get3A_889 : vector<1x128xf32> to vector<128xf32>
    %broadcast_in_dim3A_891 = vector.shape_cast %get3A_890 : vector<128xf32> to vector<1x128xf32>
    %add3A_892 = vector.broadcast %broadcast_in_dim3A_891 : vector<1x128xf32> to vector<128x128xf32>
    %add3A_893 = arith.addf %dot_general3A_886, %add3A_892 : vector<128x128xf32>
    %swap3A_894 = arith.constant 0 : index
    %swap3A_895 = arith.constant 5376 : index
    %swap3A_896 = vector.load %arg4[%swap3A_894, %swap3A_895] : memref<128x12800xf32, #tpu.memory_space<vmem>>, vector<128x128xf32>
    tpu.vector_store %arg4[%swap3A_894, %swap3A_895], %add3A_893 {strides = array<i32>} : memref<128x12800xf32, #tpu.memory_space<vmem>>, vector<128x128xf32>,
    %get3A_897 = arith.constant 0 : index
    %get3A_898 = arith.constant 5504 : index
    %get3A_899 = vector.load %arg1[%get3A_897, %get3A_898] : memref<128x12800xf32, #tpu.memory_space<vmem>>, vector<128x128xf32>
    %convert_element_type3A_900 = arith.truncf %get3A_899 : vector<128x128xf32> to vector<128x128xbf16>
    %get3A_901 = arith.constant 43 : index
    %get3A_902 = arith.constant 0 : index
    %get3A_903 = arith.constant 0 : index
    %get3A_904 = vector.load %arg2[%get3A_901, %get3A_902, %get3A_903] : memref<100x128x128xbf16, #tpu.memory_space<vmem>>, vector<1x128x128xbf16>
    %get3A_905 = vector.shape_cast %get3A_904 : vector<1x128x128xbf16> to vector<128x128xbf16>
    %dot_general3A_906 = arith.constant dense<0.000000e+00> : vector<128x128xf32>
    %dot_general3A_907 = tpu.matmul %convert_element_type3A_900, %get3A_905, %dot_general3A_906 {dimension_numbers = #tpu.dot_dimension_numbers<[1], [0], [0], [1], [0, 0, 1, 1], [], []>, transpose_lhs_hint = false} : vector<128x128xbf16>, vector<128x128xbf16>, vector<128x128xf32> -> vector<128x128xf32>
    %get3A_908 = arith.constant 43 : index
    %get3A_909 = arith.constant 0 : index
    %get3A_910 = vector.load %arg3[%get3A_908, %get3A_909] : memref<100x128xf32, #tpu.memory_space<vmem>>, vector<1x128xf32>
    %get3A_911 = vector.shape_cast %get3A_910 : vector<1x128xf32> to vector<128xf32>
    %broadcast_in_dim3A_912 = vector.shape_cast %get3A_911 : vector<128xf32> to vector<1x128xf32>
    %add3A_913 = vector.broadcast %broadcast_in_dim3A_912 : vector<1x128xf32> to vector<128x128xf32>
    %add3A_914 = arith.addf %dot_general3A_907, %add3A_913 : vector<128x128xf32>
    %swap3A_915 = arith.constant 0 : index
    %swap3A_916 = arith.constant 5504 : index
    %swap3A_917 = vector.load %arg4[%swap3A_915, %swap3A_916] : memref<128x12800xf32, #tpu.memory_space<vmem>>, vector<128x128xf32>
    tpu.vector_store %arg4[%swap3A_915, %swap3A_916], %add3A_914 {strides = array<i32>} : memref<128x12800xf32, #tpu.memory_space<vmem>>, vector<128x128xf32>,
    %get3A_918 = arith.constant 0 : index
    %get3A_919 = arith.constant 5632 : index
    %get3A_920 = vector.load %arg1[%get3A_918, %get3A_919] : memref<128x12800xf32, #tpu.memory_space<vmem>>, vector<128x128xf32>
    %convert_element_type3A_921 = arith.truncf %get3A_920 : vector<128x128xf32> to vector<128x128xbf16>
    %get3A_922 = arith.constant 44 : index
    %get3A_923 = arith.constant 0 : index
    %get3A_924 = arith.constant 0 : index
    %get3A_925 = vector.load %arg2[%get3A_922, %get3A_923, %get3A_924] : memref<100x128x128xbf16, #tpu.memory_space<vmem>>, vector<1x128x128xbf16>
    %get3A_926 = vector.shape_cast %get3A_925 : vector<1x128x128xbf16> to vector<128x128xbf16>
    %dot_general3A_927 = arith.constant dense<0.000000e+00> : vector<128x128xf32>
    %dot_general3A_928 = tpu.matmul %convert_element_type3A_921, %get3A_926, %dot_general3A_927 {dimension_numbers = #tpu.dot_dimension_numbers<[1], [0], [0], [1], [0, 0, 1, 1], [], []>, transpose_lhs_hint = false} : vector<128x128xbf16>, vector<128x128xbf16>, vector<128x128xf32> -> vector<128x128xf32>
    %get3A_929 = arith.constant 44 : index
    %get3A_930 = arith.constant 0 : index
    %get3A_931 = vector.load %arg3[%get3A_929, %get3A_930] : memref<100x128xf32, #tpu.memory_space<vmem>>, vector<1x128xf32>
    %get3A_932 = vector.shape_cast %get3A_931 : vector<1x128xf32> to vector<128xf32>
    %broadcast_in_dim3A_933 = vector.shape_cast %get3A_932 : vector<128xf32> to vector<1x128xf32>
    %add3A_934 = vector.broadcast %broadcast_in_dim3A_933 : vector<1x128xf32> to vector<128x128xf32>
    %add3A_935 = arith.addf %dot_general3A_928, %add3A_934 : vector<128x128xf32>
    %swap3A_936 = arith.constant 0 : index
    %swap3A_937 = arith.constant 5632 : index
    %swap3A_938 = vector.load %arg4[%swap3A_936, %swap3A_937] : memref<128x12800xf32, #tpu.memory_space<vmem>>, vector<128x128xf32>
    tpu.vector_store %arg4[%swap3A_936, %swap3A_937], %add3A_935 {strides = array<i32>} : memref<128x12800xf32, #tpu.memory_space<vmem>>, vector<128x128xf32>,
    %get3A_939 = arith.constant 0 : index
    %get3A_940 = arith.constant 5760 : index
    %get3A_941 = vector.load %arg1[%get3A_939, %get3A_940] : memref<128x12800xf32, #tpu.memory_space<vmem>>, vector<128x128xf32>
    %convert_element_type3A_942 = arith.truncf %get3A_941 : vector<128x128xf32> to vector<128x128xbf16>
    %get3A_943 = arith.constant 45 : index
    %get3A_944 = arith.constant 0 : index
    %get3A_945 = arith.constant 0 : index
    %get3A_946 = vector.load %arg2[%get3A_943, %get3A_944, %get3A_945] : memref<100x128x128xbf16, #tpu.memory_space<vmem>>, vector<1x128x128xbf16>
    %get3A_947 = vector.shape_cast %get3A_946 : vector<1x128x128xbf16> to vector<128x128xbf16>
    %dot_general3A_948 = arith.constant dense<0.000000e+00> : vector<128x128xf32>
    %dot_general3A_949 = tpu.matmul %convert_element_type3A_942, %get3A_947, %dot_general3A_948 {dimension_numbers = #tpu.dot_dimension_numbers<[1], [0], [0], [1], [0, 0, 1, 1], [], []>, transpose_lhs_hint = false} : vector<128x128xbf16>, vector<128x128xbf16>, vector<128x128xf32> -> vector<128x128xf32>
    %get3A_950 = arith.constant 45 : index
    %get3A_951 = arith.constant 0 : index
    %get3A_952 = vector.load %arg3[%get3A_950, %get3A_951] : memref<100x128xf32, #tpu.memory_space<vmem>>, vector<1x128xf32>
    %get3A_953 = vector.shape_cast %get3A_952 : vector<1x128xf32> to vector<128xf32>
    %broadcast_in_dim3A_954 = vector.shape_cast %get3A_953 : vector<128xf32> to vector<1x128xf32>
    %add3A_955 = vector.broadcast %broadcast_in_dim3A_954 : vector<1x128xf32> to vector<128x128xf32>
    %add3A_956 = arith.addf %dot_general3A_949, %add3A_955 : vector<128x128xf32>
    %swap3A_957 = arith.constant 0 : index
    %swap3A_958 = arith.constant 5760 : index
    %swap3A_959 = vector.load %arg4[%swap3A_957, %swap3A_958] : memref<128x12800xf32, #tpu.memory_space<vmem>>, vector<128x128xf32>
    tpu.vector_store %arg4[%swap3A_957, %swap3A_958], %add3A_956 {strides = array<i32>} : memref<128x12800xf32, #tpu.memory_space<vmem>>, vector<128x128xf32>,
    %get3A_960 = arith.constant 0 : index
    %get3A_961 = arith.constant 5888 : index
    %get3A_962 = vector.load %arg1[%get3A_960, %get3A_961] : memref<128x12800xf32, #tpu.memory_space<vmem>>, vector<128x128xf32>
    %convert_element_type3A_963 = arith.truncf %get3A_962 : vector<128x128xf32> to vector<128x128xbf16>
    %get3A_964 = arith.constant 46 : index
    %get3A_965 = arith.constant 0 : index
    %get3A_966 = arith.constant 0 : index
    %get3A_967 = vector.load %arg2[%get3A_964, %get3A_965, %get3A_966] : memref<100x128x128xbf16, #tpu.memory_space<vmem>>, vector<1x128x128xbf16>
    %get3A_968 = vector.shape_cast %get3A_967 : vector<1x128x128xbf16> to vector<128x128xbf16>
    %dot_general3A_969 = arith.constant dense<0.000000e+00> : vector<128x128xf32>
    %dot_general3A_970 = tpu.matmul %convert_element_type3A_963, %get3A_968, %dot_general3A_969 {dimension_numbers = #tpu.dot_dimension_numbers<[1], [0], [0], [1], [0, 0, 1, 1], [], []>, transpose_lhs_hint = false} : vector<128x128xbf16>, vector<128x128xbf16>, vector<128x128xf32> -> vector<128x128xf32>
    %get3A_971 = arith.constant 46 : index
    %get3A_972 = arith.constant 0 : index
    %get3A_973 = vector.load %arg3[%get3A_971, %get3A_972] : memref<100x128xf32, #tpu.memory_space<vmem>>, vector<1x128xf32>
    %get3A_974 = vector.shape_cast %get3A_973 : vector<1x128xf32> to vector<128xf32>
    %broadcast_in_dim3A_975 = vector.shape_cast %get3A_974 : vector<128xf32> to vector<1x128xf32>
    %add3A_976 = vector.broadcast %broadcast_in_dim3A_975 : vector<1x128xf32> to vector<128x128xf32>
    %add3A_977 = arith.addf %dot_general3A_970, %add3A_976 : vector<128x128xf32>
    %swap3A_978 = arith.constant 0 : index
    %swap3A_979 = arith.constant 5888 : index
    %swap3A_980 = vector.load %arg4[%swap3A_978, %swap3A_979] : memref<128x12800xf32, #tpu.memory_space<vmem>>, vector<128x128xf32>
    tpu.vector_store %arg4[%swap3A_978, %swap3A_979], %add3A_977 {strides = array<i32>} : memref<128x12800xf32, #tpu.memory_space<vmem>>, vector<128x128xf32>,
    %get3A_981 = arith.constant 0 : index
    %get3A_982 = arith.constant 6016 : index
    %get3A_983 = vector.load %arg1[%get3A_981, %get3A_982] : memref<128x12800xf32, #tpu.memory_space<vmem>>, vector<128x128xf32>
    %convert_element_type3A_984 = arith.truncf %get3A_983 : vector<128x128xf32> to vector<128x128xbf16>
    %get3A_985 = arith.constant 47 : index
    %get3A_986 = arith.constant 0 : index
    %get3A_987 = arith.constant 0 : index
    %get3A_988 = vector.load %arg2[%get3A_985, %get3A_986, %get3A_987] : memref<100x128x128xbf16, #tpu.memory_space<vmem>>, vector<1x128x128xbf16>
    %get3A_989 = vector.shape_cast %get3A_988 : vector<1x128x128xbf16> to vector<128x128xbf16>
    %dot_general3A_990 = arith.constant dense<0.000000e+00> : vector<128x128xf32>
    %dot_general3A_991 = tpu.matmul %convert_element_type3A_984, %get3A_989, %dot_general3A_990 {dimension_numbers = #tpu.dot_dimension_numbers<[1], [0], [0], [1], [0, 0, 1, 1], [], []>, transpose_lhs_hint = false} : vector<128x128xbf16>, vector<128x128xbf16>, vector<128x128xf32> -> vector<128x128xf32>
    %get3A_992 = arith.constant 47 : index
    %get3A_993 = arith.constant 0 : index
    %get3A_994 = vector.load %arg3[%get3A_992, %get3A_993] : memref<100x128xf32, #tpu.memory_space<vmem>>, vector<1x128xf32>
    %get3A_995 = vector.shape_cast %get3A_994 : vector<1x128xf32> to vector<128xf32>
    %broadcast_in_dim3A_996 = vector.shape_cast %get3A_995 : vector<128xf32> to vector<1x128xf32>
    %add3A_997 = vector.broadcast %broadcast_in_dim3A_996 : vector<1x128xf32> to vector<128x128xf32>
    %add3A_998 = arith.addf %dot_general3A_991, %add3A_997 : vector<128x128xf32>
    %swap3A_999 = arith.constant 0 : index
    %swap3A_1000 = arith.constant 6016 : index
    %swap3A_1001 = vector.load %arg4[%swap3A_999, %swap3A_1000] : memref<128x12800xf32, #tpu.memory_space<vmem>>, vector<128x128xf32>
    tpu.vector_store %arg4[%swap3A_999, %swap3A_1000], %add3A_998 {strides = array<i32>} : memref<128x12800xf32, #tpu.memory_space<vmem>>, vector<128x128xf32>,
    %get3A_1002 = arith.constant 0 : index
    %get3A_1003 = arith.constant 6144 : index
    %get3A_1004 = vector.load %arg1[%get3A_1002, %get3A_1003] : memref<128x12800xf32, #tpu.memory_space<vmem>>, vector<128x128xf32>
    %convert_element_type3A_1005 = arith.truncf %get3A_1004 : vector<128x128xf32> to vector<128x128xbf16>
    %get3A_1006 = arith.constant 48 : index
    %get3A_1007 = arith.constant 0 : index
    %get3A_1008 = arith.constant 0 : index
    %get3A_1009 = vector.load %arg2[%get3A_1006, %get3A_1007, %get3A_1008] : memref<100x128x128xbf16, #tpu.memory_space<vmem>>, vector<1x128x128xbf16>
    %get3A_1010 = vector.shape_cast %get3A_1009 : vector<1x128x128xbf16> to vector<128x128xbf16>
    %dot_general3A_1011 = arith.constant dense<0.000000e+00> : vector<128x128xf32>
    %dot_general3A_1012 = tpu.matmul %convert_element_type3A_1005, %get3A_1010, %dot_general3A_1011 {dimension_numbers = #tpu.dot_dimension_numbers<[1], [0], [0], [1], [0, 0, 1, 1], [], []>, transpose_lhs_hint = false} : vector<128x128xbf16>, vector<128x128xbf16>, vector<128x128xf32> -> vector<128x128xf32>
    %get3A_1013 = arith.constant 48 : index
    %get3A_1014 = arith.constant 0 : index
    %get3A_1015 = vector.load %arg3[%get3A_1013, %get3A_1014] : memref<100x128xf32, #tpu.memory_space<vmem>>, vector<1x128xf32>
    %get3A_1016 = vector.shape_cast %get3A_1015 : vector<1x128xf32> to vector<128xf32>
    %broadcast_in_dim3A_1017 = vector.shape_cast %get3A_1016 : vector<128xf32> to vector<1x128xf32>
    %add3A_1018 = vector.broadcast %broadcast_in_dim3A_1017 : vector<1x128xf32> to vector<128x128xf32>
    %add3A_1019 = arith.addf %dot_general3A_1012, %add3A_1018 : vector<128x128xf32>
    %swap3A_1020 = arith.constant 0 : index
    %swap3A_1021 = arith.constant 6144 : index
    %swap3A_1022 = vector.load %arg4[%swap3A_1020, %swap3A_1021] : memref<128x12800xf32, #tpu.memory_space<vmem>>, vector<128x128xf32>
    tpu.vector_store %arg4[%swap3A_1020, %swap3A_1021], %add3A_1019 {strides = array<i32>} : memref<128x12800xf32, #tpu.memory_space<vmem>>, vector<128x128xf32>,
    %get3A_1023 = arith.constant 0 : index
    %get3A_1024 = arith.constant 6272 : index
    %get3A_1025 = vector.load %arg1[%get3A_1023, %get3A_1024] : memref<128x12800xf32, #tpu.memory_space<vmem>>, vector<128x128xf32>
    %convert_element_type3A_1026 = arith.truncf %get3A_1025 : vector<128x128xf32> to vector<128x128xbf16>
    %get3A_1027 = arith.constant 49 : index
    %get3A_1028 = arith.constant 0 : index
    %get3A_1029 = arith.constant 0 : index
    %get3A_1030 = vector.load %arg2[%get3A_1027, %get3A_1028, %get3A_1029] : memref<100x128x128xbf16, #tpu.memory_space<vmem>>, vector<1x128x128xbf16>
    %get3A_1031 = vector.shape_cast %get3A_1030 : vector<1x128x128xbf16> to vector<128x128xbf16>
    %dot_general3A_1032 = arith.constant dense<0.000000e+00> : vector<128x128xf32>
    %dot_general3A_1033 = tpu.matmul %convert_element_type3A_1026, %get3A_1031, %dot_general3A_1032 {dimension_numbers = #tpu.dot_dimension_numbers<[1], [0], [0], [1], [0, 0, 1, 1], [], []>, transpose_lhs_hint = false} : vector<128x128xbf16>, vector<128x128xbf16>, vector<128x128xf32> -> vector<128x128xf32>
    %get3A_1034 = arith.constant 49 : index
    %get3A_1035 = arith.constant 0 : index
    %get3A_1036 = vector.load %arg3[%get3A_1034, %get3A_1035] : memref<100x128xf32, #tpu.memory_space<vmem>>, vector<1x128xf32>
    %get3A_1037 = vector.shape_cast %get3A_1036 : vector<1x128xf32> to vector<128xf32>
    %broadcast_in_dim3A_1038 = vector.shape_cast %get3A_1037 : vector<128xf32> to vector<1x128xf32>
    %add3A_1039 = vector.broadcast %broadcast_in_dim3A_1038 : vector<1x128xf32> to vector<128x128xf32>
    %add3A_1040 = arith.addf %dot_general3A_1033, %add3A_1039 : vector<128x128xf32>
    %swap3A_1041 = arith.constant 0 : index
    %swap3A_1042 = arith.constant 6272 : index
    %swap3A_1043 = vector.load %arg4[%swap3A_1041, %swap3A_1042] : memref<128x12800xf32, #tpu.memory_space<vmem>>, vector<128x128xf32>
    tpu.vector_store %arg4[%swap3A_1041, %swap3A_1042], %add3A_1040 {strides = array<i32>} : memref<128x12800xf32, #tpu.memory_space<vmem>>, vector<128x128xf32>,
    %get3A_1044 = arith.constant 0 : index
    %get3A_1045 = arith.constant 6400 : index
    %get3A_1046 = vector.load %arg1[%get3A_1044, %get3A_1045] : memref<128x12800xf32, #tpu.memory_space<vmem>>, vector<128x128xf32>
    %convert_element_type3A_1047 = arith.truncf %get3A_1046 : vector<128x128xf32> to vector<128x128xbf16>
    %get3A_1048 = arith.constant 50 : index
    %get3A_1049 = arith.constant 0 : index
    %get3A_1050 = arith.constant 0 : index
    %get3A_1051 = vector.load %arg2[%get3A_1048, %get3A_1049, %get3A_1050] : memref<100x128x128xbf16, #tpu.memory_space<vmem>>, vector<1x128x128xbf16>
    %get3A_1052 = vector.shape_cast %get3A_1051 : vector<1x128x128xbf16> to vector<128x128xbf16>
    %dot_general3A_1053 = arith.constant dense<0.000000e+00> : vector<128x128xf32>
    %dot_general3A_1054 = tpu.matmul %convert_element_type3A_1047, %get3A_1052, %dot_general3A_1053 {dimension_numbers = #tpu.dot_dimension_numbers<[1], [0], [0], [1], [0, 0, 1, 1], [], []>, transpose_lhs_hint = false} : vector<128x128xbf16>, vector<128x128xbf16>, vector<128x128xf32> -> vector<128x128xf32>
    %get3A_1055 = arith.constant 50 : index
    %get3A_1056 = arith.constant 0 : index
    %get3A_1057 = vector.load %arg3[%get3A_1055, %get3A_1056] : memref<100x128xf32, #tpu.memory_space<vmem>>, vector<1x128xf32>
    %get3A_1058 = vector.shape_cast %get3A_1057 : vector<1x128xf32> to vector<128xf32>
    %broadcast_in_dim3A_1059 = vector.shape_cast %get3A_1058 : vector<128xf32> to vector<1x128xf32>
    %add3A_1060 = vector.broadcast %broadcast_in_dim3A_1059 : vector<1x128xf32> to vector<128x128xf32>
    %add3A_1061 = arith.addf %dot_general3A_1054, %add3A_1060 : vector<128x128xf32>
    %swap3A_1062 = arith.constant 0 : index
    %swap3A_1063 = arith.constant 6400 : index
    %swap3A_1064 = vector.load %arg4[%swap3A_1062, %swap3A_1063] : memref<128x12800xf32, #tpu.memory_space<vmem>>, vector<128x128xf32>
    tpu.vector_store %arg4[%swap3A_1062, %swap3A_1063], %add3A_1061 {strides = array<i32>} : memref<128x12800xf32, #tpu.memory_space<vmem>>, vector<128x128xf32>,
    %get3A_1065 = arith.constant 0 : index
    %get3A_1066 = arith.constant 6528 : index
    %get3A_1067 = vector.load %arg1[%get3A_1065, %get3A_1066] : memref<128x12800xf32, #tpu.memory_space<vmem>>, vector<128x128xf32>
    %convert_element_type3A_1068 = arith.truncf %get3A_1067 : vector<128x128xf32> to vector<128x128xbf16>
    %get3A_1069 = arith.constant 51 : index
    %get3A_1070 = arith.constant 0 : index
    %get3A_1071 = arith.constant 0 : index
    %get3A_1072 = vector.load %arg2[%get3A_1069, %get3A_1070, %get3A_1071] : memref<100x128x128xbf16, #tpu.memory_space<vmem>>, vector<1x128x128xbf16>
    %get3A_1073 = vector.shape_cast %get3A_1072 : vector<1x128x128xbf16> to vector<128x128xbf16>
    %dot_general3A_1074 = arith.constant dense<0.000000e+00> : vector<128x128xf32>
    %dot_general3A_1075 = tpu.matmul %convert_element_type3A_1068, %get3A_1073, %dot_general3A_1074 {dimension_numbers = #tpu.dot_dimension_numbers<[1], [0], [0], [1], [0, 0, 1, 1], [], []>, transpose_lhs_hint = false} : vector<128x128xbf16>, vector<128x128xbf16>, vector<128x128xf32> -> vector<128x128xf32>
    %get3A_1076 = arith.constant 51 : index
    %get3A_1077 = arith.constant 0 : index
    %get3A_1078 = vector.load %arg3[%get3A_1076, %get3A_1077] : memref<100x128xf32, #tpu.memory_space<vmem>>, vector<1x128xf32>
    %get3A_1079 = vector.shape_cast %get3A_1078 : vector<1x128xf32> to vector<128xf32>
    %broadcast_in_dim3A_1080 = vector.shape_cast %get3A_1079 : vector<128xf32> to vector<1x128xf32>
    %add3A_1081 = vector.broadcast %broadcast_in_dim3A_1080 : vector<1x128xf32> to vector<128x128xf32>
    %add3A_1082 = arith.addf %dot_general3A_1075, %add3A_1081 : vector<128x128xf32>
    %swap3A_1083 = arith.constant 0 : index
    %swap3A_1084 = arith.constant 6528 : index
    %swap3A_1085 = vector.load %arg4[%swap3A_1083, %swap3A_1084] : memref<128x12800xf32, #tpu.memory_space<vmem>>, vector<128x128xf32>
    tpu.vector_store %arg4[%swap3A_1083, %swap3A_1084], %add3A_1082 {strides = array<i32>} : memref<128x12800xf32, #tpu.memory_space<vmem>>, vector<128x128xf32>,
    %get3A_1086 = arith.constant 0 : index
    %get3A_1087 = arith.constant 6656 : index
    %get3A_1088 = vector.load %arg1[%get3A_1086, %get3A_1087] : memref<128x12800xf32, #tpu.memory_space<vmem>>, vector<128x128xf32>
    %convert_element_type3A_1089 = arith.truncf %get3A_1088 : vector<128x128xf32> to vector<128x128xbf16>
    %get3A_1090 = arith.constant 52 : index
    %get3A_1091 = arith.constant 0 : index
    %get3A_1092 = arith.constant 0 : index
    %get3A_1093 = vector.load %arg2[%get3A_1090, %get3A_1091, %get3A_1092] : memref<100x128x128xbf16, #tpu.memory_space<vmem>>, vector<1x128x128xbf16>
    %get3A_1094 = vector.shape_cast %get3A_1093 : vector<1x128x128xbf16> to vector<128x128xbf16>
    %dot_general3A_1095 = arith.constant dense<0.000000e+00> : vector<128x128xf32>
    %dot_general3A_1096 = tpu.matmul %convert_element_type3A_1089, %get3A_1094, %dot_general3A_1095 {dimension_numbers = #tpu.dot_dimension_numbers<[1], [0], [0], [1], [0, 0, 1, 1], [], []>, transpose_lhs_hint = false} : vector<128x128xbf16>, vector<128x128xbf16>, vector<128x128xf32> -> vector<128x128xf32>
    %get3A_1097 = arith.constant 52 : index
    %get3A_1098 = arith.constant 0 : index
    %get3A_1099 = vector.load %arg3[%get3A_1097, %get3A_1098] : memref<100x128xf32, #tpu.memory_space<vmem>>, vector<1x128xf32>
    %get3A_1100 = vector.shape_cast %get3A_1099 : vector<1x128xf32> to vector<128xf32>
    %broadcast_in_dim3A_1101 = vector.shape_cast %get3A_1100 : vector<128xf32> to vector<1x128xf32>
    %add3A_1102 = vector.broadcast %broadcast_in_dim3A_1101 : vector<1x128xf32> to vector<128x128xf32>
    %add3A_1103 = arith.addf %dot_general3A_1096, %add3A_1102 : vector<128x128xf32>
    %swap3A_1104 = arith.constant 0 : index
    %swap3A_1105 = arith.constant 6656 : index
    %swap3A_1106 = vector.load %arg4[%swap3A_1104, %swap3A_1105] : memref<128x12800xf32, #tpu.memory_space<vmem>>, vector<128x128xf32>
    tpu.vector_store %arg4[%swap3A_1104, %swap3A_1105], %add3A_1103 {strides = array<i32>} : memref<128x12800xf32, #tpu.memory_space<vmem>>, vector<128x128xf32>,
    %get3A_1107 = arith.constant 0 : index
    %get3A_1108 = arith.constant 6784 : index
    %get3A_1109 = vector.load %arg1[%get3A_1107, %get3A_1108] : memref<128x12800xf32, #tpu.memory_space<vmem>>, vector<128x128xf32>
    %convert_element_type3A_1110 = arith.truncf %get3A_1109 : vector<128x128xf32> to vector<128x128xbf16>
    %get3A_1111 = arith.constant 53 : index
    %get3A_1112 = arith.constant 0 : index
    %get3A_1113 = arith.constant 0 : index
    %get3A_1114 = vector.load %arg2[%get3A_1111, %get3A_1112, %get3A_1113] : memref<100x128x128xbf16, #tpu.memory_space<vmem>>, vector<1x128x128xbf16>
    %get3A_1115 = vector.shape_cast %get3A_1114 : vector<1x128x128xbf16> to vector<128x128xbf16>
    %dot_general3A_1116 = arith.constant dense<0.000000e+00> : vector<128x128xf32>
    %dot_general3A_1117 = tpu.matmul %convert_element_type3A_1110, %get3A_1115, %dot_general3A_1116 {dimension_numbers = #tpu.dot_dimension_numbers<[1], [0], [0], [1], [0, 0, 1, 1], [], []>, transpose_lhs_hint = false} : vector<128x128xbf16>, vector<128x128xbf16>, vector<128x128xf32> -> vector<128x128xf32>
    %get3A_1118 = arith.constant 53 : index
    %get3A_1119 = arith.constant 0 : index
    %get3A_1120 = vector.load %arg3[%get3A_1118, %get3A_1119] : memref<100x128xf32, #tpu.memory_space<vmem>>, vector<1x128xf32>
    %get3A_1121 = vector.shape_cast %get3A_1120 : vector<1x128xf32> to vector<128xf32>
    %broadcast_in_dim3A_1122 = vector.shape_cast %get3A_1121 : vector<128xf32> to vector<1x128xf32>
    %add3A_1123 = vector.broadcast %broadcast_in_dim3A_1122 : vector<1x128xf32> to vector<128x128xf32>
    %add3A_1124 = arith.addf %dot_general3A_1117, %add3A_1123 : vector<128x128xf32>
    %swap3A_1125 = arith.constant 0 : index
    %swap3A_1126 = arith.constant 6784 : index
    %swap3A_1127 = vector.load %arg4[%swap3A_1125, %swap3A_1126] : memref<128x12800xf32, #tpu.memory_space<vmem>>, vector<128x128xf32>
    tpu.vector_store %arg4[%swap3A_1125, %swap3A_1126], %add3A_1124 {strides = array<i32>} : memref<128x12800xf32, #tpu.memory_space<vmem>>, vector<128x128xf32>,
    %get3A_1128 = arith.constant 0 : index
    %get3A_1129 = arith.constant 6912 : index
    %get3A_1130 = vector.load %arg1[%get3A_1128, %get3A_1129] : memref<128x12800xf32, #tpu.memory_space<vmem>>, vector<128x128xf32>
    %convert_element_type3A_1131 = arith.truncf %get3A_1130 : vector<128x128xf32> to vector<128x128xbf16>
    %get3A_1132 = arith.constant 54 : index
    %get3A_1133 = arith.constant 0 : index
    %get3A_1134 = arith.constant 0 : index
    %get3A_1135 = vector.load %arg2[%get3A_1132, %get3A_1133, %get3A_1134] : memref<100x128x128xbf16, #tpu.memory_space<vmem>>, vector<1x128x128xbf16>
    %get3A_1136 = vector.shape_cast %get3A_1135 : vector<1x128x128xbf16> to vector<128x128xbf16>
    %dot_general3A_1137 = arith.constant dense<0.000000e+00> : vector<128x128xf32>
    %dot_general3A_1138 = tpu.matmul %convert_element_type3A_1131, %get3A_1136, %dot_general3A_1137 {dimension_numbers = #tpu.dot_dimension_numbers<[1], [0], [0], [1], [0, 0, 1, 1], [], []>, transpose_lhs_hint = false} : vector<128x128xbf16>, vector<128x128xbf16>, vector<128x128xf32> -> vector<128x128xf32>
    %get3A_1139 = arith.constant 54 : index
    %get3A_1140 = arith.constant 0 : index
    %get3A_1141 = vector.load %arg3[%get3A_1139, %get3A_1140] : memref<100x128xf32, #tpu.memory_space<vmem>>, vector<1x128xf32>
    %get3A_1142 = vector.shape_cast %get3A_1141 : vector<1x128xf32> to vector<128xf32>
    %broadcast_in_dim3A_1143 = vector.shape_cast %get3A_1142 : vector<128xf32> to vector<1x128xf32>
    %add3A_1144 = vector.broadcast %broadcast_in_dim3A_1143 : vector<1x128xf32> to vector<128x128xf32>
    %add3A_1145 = arith.addf %dot_general3A_1138, %add3A_1144 : vector<128x128xf32>
    %swap3A_1146 = arith.constant 0 : index
    %swap3A_1147 = arith.constant 6912 : index
    %swap3A_1148 = vector.load %arg4[%swap3A_1146, %swap3A_1147] : memref<128x12800xf32, #tpu.memory_space<vmem>>, vector<128x128xf32>
    tpu.vector_store %arg4[%swap3A_1146, %swap3A_1147], %add3A_1145 {strides = array<i32>} : memref<128x12800xf32, #tpu.memory_space<vmem>>, vector<128x128xf32>,
    %get3A_1149 = arith.constant 0 : index
    %get3A_1150 = arith.constant 7040 : index
    %get3A_1151 = vector.load %arg1[%get3A_1149, %get3A_1150] : memref<128x12800xf32, #tpu.memory_space<vmem>>, vector<128x128xf32>
    %convert_element_type3A_1152 = arith.truncf %get3A_1151 : vector<128x128xf32> to vector<128x128xbf16>
    %get3A_1153 = arith.constant 55 : index
    %get3A_1154 = arith.constant 0 : index
    %get3A_1155 = arith.constant 0 : index
    %get3A_1156 = vector.load %arg2[%get3A_1153, %get3A_1154, %get3A_1155] : memref<100x128x128xbf16, #tpu.memory_space<vmem>>, vector<1x128x128xbf16>
    %get3A_1157 = vector.shape_cast %get3A_1156 : vector<1x128x128xbf16> to vector<128x128xbf16>
    %dot_general3A_1158 = arith.constant dense<0.000000e+00> : vector<128x128xf32>
    %dot_general3A_1159 = tpu.matmul %convert_element_type3A_1152, %get3A_1157, %dot_general3A_1158 {dimension_numbers = #tpu.dot_dimension_numbers<[1], [0], [0], [1], [0, 0, 1, 1], [], []>, transpose_lhs_hint = false} : vector<128x128xbf16>, vector<128x128xbf16>, vector<128x128xf32> -> vector<128x128xf32>
    %get3A_1160 = arith.constant 55 : index
    %get3A_1161 = arith.constant 0 : index
    %get3A_1162 = vector.load %arg3[%get3A_1160, %get3A_1161] : memref<100x128xf32, #tpu.memory_space<vmem>>, vector<1x128xf32>
    %get3A_1163 = vector.shape_cast %get3A_1162 : vector<1x128xf32> to vector<128xf32>
    %broadcast_in_dim3A_1164 = vector.shape_cast %get3A_1163 : vector<128xf32> to vector<1x128xf32>
    %add3A_1165 = vector.broadcast %broadcast_in_dim3A_1164 : vector<1x128xf32> to vector<128x128xf32>
    %add3A_1166 = arith.addf %dot_general3A_1159, %add3A_1165 : vector<128x128xf32>
    %swap3A_1167 = arith.constant 0 : index
    %swap3A_1168 = arith.constant 7040 : index
    %swap3A_1169 = vector.load %arg4[%swap3A_1167, %swap3A_1168] : memref<128x12800xf32, #tpu.memory_space<vmem>>, vector<128x128xf32>
    tpu.vector_store %arg4[%swap3A_1167, %swap3A_1168], %add3A_1166 {strides = array<i32>} : memref<128x12800xf32, #tpu.memory_space<vmem>>, vector<128x128xf32>,
    %get3A_1170 = arith.constant 0 : index
    %get3A_1171 = arith.constant 7168 : index
    %get3A_1172 = vector.load %arg1[%get3A_1170, %get3A_1171] : memref<128x12800xf32, #tpu.memory_space<vmem>>, vector<128x128xf32>
    %convert_element_type3A_1173 = arith.truncf %get3A_1172 : vector<128x128xf32> to vector<128x128xbf16>
    %get3A_1174 = arith.constant 56 : index
    %get3A_1175 = arith.constant 0 : index
    %get3A_1176 = arith.constant 0 : index
    %get3A_1177 = vector.load %arg2[%get3A_1174, %get3A_1175, %get3A_1176] : memref<100x128x128xbf16, #tpu.memory_space<vmem>>, vector<1x128x128xbf16>
    %get3A_1178 = vector.shape_cast %get3A_1177 : vector<1x128x128xbf16> to vector<128x128xbf16>
    %dot_general3A_1179 = arith.constant dense<0.000000e+00> : vector<128x128xf32>
    %dot_general3A_1180 = tpu.matmul %convert_element_type3A_1173, %get3A_1178, %dot_general3A_1179 {dimension_numbers = #tpu.dot_dimension_numbers<[1], [0], [0], [1], [0, 0, 1, 1], [], []>, transpose_lhs_hint = false} : vector<128x128xbf16>, vector<128x128xbf16>, vector<128x128xf32> -> vector<128x128xf32>
    %get3A_1181 = arith.constant 56 : index
    %get3A_1182 = arith.constant 0 : index
    %get3A_1183 = vector.load %arg3[%get3A_1181, %get3A_1182] : memref<100x128xf32, #tpu.memory_space<vmem>>, vector<1x128xf32>
    %get3A_1184 = vector.shape_cast %get3A_1183 : vector<1x128xf32> to vector<128xf32>
    %broadcast_in_dim3A_1185 = vector.shape_cast %get3A_1184 : vector<128xf32> to vector<1x128xf32>
    %add3A_1186 = vector.broadcast %broadcast_in_dim3A_1185 : vector<1x128xf32> to vector<128x128xf32>
    %add3A_1187 = arith.addf %dot_general3A_1180, %add3A_1186 : vector<128x128xf32>
    %swap3A_1188 = arith.constant 0 : index
    %swap3A_1189 = arith.constant 7168 : index
    %swap3A_1190 = vector.load %arg4[%swap3A_1188, %swap3A_1189] : memref<128x12800xf32, #tpu.memory_space<vmem>>, vector<128x128xf32>
    tpu.vector_store %arg4[%swap3A_1188, %swap3A_1189], %add3A_1187 {strides = array<i32>} : memref<128x12800xf32, #tpu.memory_space<vmem>>, vector<128x128xf32>,
    %get3A_1191 = arith.constant 0 : index
    %get3A_1192 = arith.constant 7296 : index
    %get3A_1193 = vector.load %arg1[%get3A_1191, %get3A_1192] : memref<128x12800xf32, #tpu.memory_space<vmem>>, vector<128x128xf32>
    %convert_element_type3A_1194 = arith.truncf %get3A_1193 : vector<128x128xf32> to vector<128x128xbf16>
    %get3A_1195 = arith.constant 57 : index
    %get3A_1196 = arith.constant 0 : index
    %get3A_1197 = arith.constant 0 : index
    %get3A_1198 = vector.load %arg2[%get3A_1195, %get3A_1196, %get3A_1197] : memref<100x128x128xbf16, #tpu.memory_space<vmem>>, vector<1x128x128xbf16>
    %get3A_1199 = vector.shape_cast %get3A_1198 : vector<1x128x128xbf16> to vector<128x128xbf16>
    %dot_general3A_1200 = arith.constant dense<0.000000e+00> : vector<128x128xf32>
    %dot_general3A_1201 = tpu.matmul %convert_element_type3A_1194, %get3A_1199, %dot_general3A_1200 {dimension_numbers = #tpu.dot_dimension_numbers<[1], [0], [0], [1], [0, 0, 1, 1], [], []>, transpose_lhs_hint = false} : vector<128x128xbf16>, vector<128x128xbf16>, vector<128x128xf32> -> vector<128x128xf32>
    %get3A_1202 = arith.constant 57 : index
    %get3A_1203 = arith.constant 0 : index
    %get3A_1204 = vector.load %arg3[%get3A_1202, %get3A_1203] : memref<100x128xf32, #tpu.memory_space<vmem>>, vector<1x128xf32>
    %get3A_1205 = vector.shape_cast %get3A_1204 : vector<1x128xf32> to vector<128xf32>
    %broadcast_in_dim3A_1206 = vector.shape_cast %get3A_1205 : vector<128xf32> to vector<1x128xf32>
    %add3A_1207 = vector.broadcast %broadcast_in_dim3A_1206 : vector<1x128xf32> to vector<128x128xf32>
    %add3A_1208 = arith.addf %dot_general3A_1201, %add3A_1207 : vector<128x128xf32>
    %swap3A_1209 = arith.constant 0 : index
    %swap3A_1210 = arith.constant 7296 : index
    %swap3A_1211 = vector.load %arg4[%swap3A_1209, %swap3A_1210] : memref<128x12800xf32, #tpu.memory_space<vmem>>, vector<128x128xf32>
    tpu.vector_store %arg4[%swap3A_1209, %swap3A_1210], %add3A_1208 {strides = array<i32>} : memref<128x12800xf32, #tpu.memory_space<vmem>>, vector<128x128xf32>,
    %get3A_1212 = arith.constant 0 : index
    %get3A_1213 = arith.constant 7424 : index
    %get3A_1214 = vector.load %arg1[%get3A_1212, %get3A_1213] : memref<128x12800xf32, #tpu.memory_space<vmem>>, vector<128x128xf32>
    %convert_element_type3A_1215 = arith.truncf %get3A_1214 : vector<128x128xf32> to vector<128x128xbf16>
    %get3A_1216 = arith.constant 58 : index
    %get3A_1217 = arith.constant 0 : index
    %get3A_1218 = arith.constant 0 : index
    %get3A_1219 = vector.load %arg2[%get3A_1216, %get3A_1217, %get3A_1218] : memref<100x128x128xbf16, #tpu.memory_space<vmem>>, vector<1x128x128xbf16>
    %get3A_1220 = vector.shape_cast %get3A_1219 : vector<1x128x128xbf16> to vector<128x128xbf16>
    %dot_general3A_1221 = arith.constant dense<0.000000e+00> : vector<128x128xf32>
    %dot_general3A_1222 = tpu.matmul %convert_element_type3A_1215, %get3A_1220, %dot_general3A_1221 {dimension_numbers = #tpu.dot_dimension_numbers<[1], [0], [0], [1], [0, 0, 1, 1], [], []>, transpose_lhs_hint = false} : vector<128x128xbf16>, vector<128x128xbf16>, vector<128x128xf32> -> vector<128x128xf32>
    %get3A_1223 = arith.constant 58 : index
    %get3A_1224 = arith.constant 0 : index
    %get3A_1225 = vector.load %arg3[%get3A_1223, %get3A_1224] : memref<100x128xf32, #tpu.memory_space<vmem>>, vector<1x128xf32>
    %get3A_1226 = vector.shape_cast %get3A_1225 : vector<1x128xf32> to vector<128xf32>
    %broadcast_in_dim3A_1227 = vector.shape_cast %get3A_1226 : vector<128xf32> to vector<1x128xf32>
    %add3A_1228 = vector.broadcast %broadcast_in_dim3A_1227 : vector<1x128xf32> to vector<128x128xf32>
    %add3A_1229 = arith.addf %dot_general3A_1222, %add3A_1228 : vector<128x128xf32>
    %swap3A_1230 = arith.constant 0 : index
    %swap3A_1231 = arith.constant 7424 : index
    %swap3A_1232 = vector.load %arg4[%swap3A_1230, %swap3A_1231] : memref<128x12800xf32, #tpu.memory_space<vmem>>, vector<128x128xf32>
    tpu.vector_store %arg4[%swap3A_1230, %swap3A_1231], %add3A_1229 {strides = array<i32>} : memref<128x12800xf32, #tpu.memory_space<vmem>>, vector<128x128xf32>,
    %get3A_1233 = arith.constant 0 : index
    %get3A_1234 = arith.constant 7552 : index
    %get3A_1235 = vector.load %arg1[%get3A_1233, %get3A_1234] : memref<128x12800xf32, #tpu.memory_space<vmem>>, vector<128x128xf32>
    %convert_element_type3A_1236 = arith.truncf %get3A_1235 : vector<128x128xf32> to vector<128x128xbf16>
    %get3A_1237 = arith.constant 59 : index
    %get3A_1238 = arith.constant 0 : index
    %get3A_1239 = arith.constant 0 : index
    %get3A_1240 = vector.load %arg2[%get3A_1237, %get3A_1238, %get3A_1239] : memref<100x128x128xbf16, #tpu.memory_space<vmem>>, vector<1x128x128xbf16>
    %get3A_1241 = vector.shape_cast %get3A_1240 : vector<1x128x128xbf16> to vector<128x128xbf16>
    %dot_general3A_1242 = arith.constant dense<0.000000e+00> : vector<128x128xf32>
    %dot_general3A_1243 = tpu.matmul %convert_element_type3A_1236, %get3A_1241, %dot_general3A_1242 {dimension_numbers = #tpu.dot_dimension_numbers<[1], [0], [0], [1], [0, 0, 1, 1], [], []>, transpose_lhs_hint = false} : vector<128x128xbf16>, vector<128x128xbf16>, vector<128x128xf32> -> vector<128x128xf32>
    %get3A_1244 = arith.constant 59 : index
    %get3A_1245 = arith.constant 0 : index
    %get3A_1246 = vector.load %arg3[%get3A_1244, %get3A_1245] : memref<100x128xf32, #tpu.memory_space<vmem>>, vector<1x128xf32>
    %get3A_1247 = vector.shape_cast %get3A_1246 : vector<1x128xf32> to vector<128xf32>
    %broadcast_in_dim3A_1248 = vector.shape_cast %get3A_1247 : vector<128xf32> to vector<1x128xf32>
    %add3A_1249 = vector.broadcast %broadcast_in_dim3A_1248 : vector<1x128xf32> to vector<128x128xf32>
    %add3A_1250 = arith.addf %dot_general3A_1243, %add3A_1249 : vector<128x128xf32>
    %swap3A_1251 = arith.constant 0 : index
    %swap3A_1252 = arith.constant 7552 : index
    %swap3A_1253 = vector.load %arg4[%swap3A_1251, %swap3A_1252] : memref<128x12800xf32, #tpu.memory_space<vmem>>, vector<128x128xf32>
    tpu.vector_store %arg4[%swap3A_1251, %swap3A_1252], %add3A_1250 {strides = array<i32>} : memref<128x12800xf32, #tpu.memory_space<vmem>>, vector<128x128xf32>,
    %get3A_1254 = arith.constant 0 : index
    %get3A_1255 = arith.constant 7680 : index
    %get3A_1256 = vector.load %arg1[%get3A_1254, %get3A_1255] : memref<128x12800xf32, #tpu.memory_space<vmem>>, vector<128x128xf32>
    %convert_element_type3A_1257 = arith.truncf %get3A_1256 : vector<128x128xf32> to vector<128x128xbf16>
    %get3A_1258 = arith.constant 60 : index
    %get3A_1259 = arith.constant 0 : index
    %get3A_1260 = arith.constant 0 : index
    %get3A_1261 = vector.load %arg2[%get3A_1258, %get3A_1259, %get3A_1260] : memref<100x128x128xbf16, #tpu.memory_space<vmem>>, vector<1x128x128xbf16>
    %get3A_1262 = vector.shape_cast %get3A_1261 : vector<1x128x128xbf16> to vector<128x128xbf16>
    %dot_general3A_1263 = arith.constant dense<0.000000e+00> : vector<128x128xf32>
    %dot_general3A_1264 = tpu.matmul %convert_element_type3A_1257, %get3A_1262, %dot_general3A_1263 {dimension_numbers = #tpu.dot_dimension_numbers<[1], [0], [0], [1], [0, 0, 1, 1], [], []>, transpose_lhs_hint = false} : vector<128x128xbf16>, vector<128x128xbf16>, vector<128x128xf32> -> vector<128x128xf32>
    %get3A_1265 = arith.constant 60 : index
    %get3A_1266 = arith.constant 0 : index
    %get3A_1267 = vector.load %arg3[%get3A_1265, %get3A_1266] : memref<100x128xf32, #tpu.memory_space<vmem>>, vector<1x128xf32>
    %get3A_1268 = vector.shape_cast %get3A_1267 : vector<1x128xf32> to vector<128xf32>
    %broadcast_in_dim3A_1269 = vector.shape_cast %get3A_1268 : vector<128xf32> to vector<1x128xf32>
    %add3A_1270 = vector.broadcast %broadcast_in_dim3A_1269 : vector<1x128xf32> to vector<128x128xf32>
    %add3A_1271 = arith.addf %dot_general3A_1264, %add3A_1270 : vector<128x128xf32>
    %swap3A_1272 = arith.constant 0 : index
    %swap3A_1273 = arith.constant 7680 : index
    %swap3A_1274 = vector.load %arg4[%swap3A_1272, %swap3A_1273] : memref<128x12800xf32, #tpu.memory_space<vmem>>, vector<128x128xf32>
    tpu.vector_store %arg4[%swap3A_1272, %swap3A_1273], %add3A_1271 {strides = array<i32>} : memref<128x12800xf32, #tpu.memory_space<vmem>>, vector<128x128xf32>,
    %get3A_1275 = arith.constant 0 : index
    %get3A_1276 = arith.constant 7808 : index
    %get3A_1277 = vector.load %arg1[%get3A_1275, %get3A_1276] : memref<128x12800xf32, #tpu.memory_space<vmem>>, vector<128x128xf32>
    %convert_element_type3A_1278 = arith.truncf %get3A_1277 : vector<128x128xf32> to vector<128x128xbf16>
    %get3A_1279 = arith.constant 61 : index
    %get3A_1280 = arith.constant 0 : index
    %get3A_1281 = arith.constant 0 : index
    %get3A_1282 = vector.load %arg2[%get3A_1279, %get3A_1280, %get3A_1281] : memref<100x128x128xbf16, #tpu.memory_space<vmem>>, vector<1x128x128xbf16>
    %get3A_1283 = vector.shape_cast %get3A_1282 : vector<1x128x128xbf16> to vector<128x128xbf16>
    %dot_general3A_1284 = arith.constant dense<0.000000e+00> : vector<128x128xf32>
    %dot_general3A_1285 = tpu.matmul %convert_element_type3A_1278, %get3A_1283, %dot_general3A_1284 {dimension_numbers = #tpu.dot_dimension_numbers<[1], [0], [0], [1], [0, 0, 1, 1], [], []>, transpose_lhs_hint = false} : vector<128x128xbf16>, vector<128x128xbf16>, vector<128x128xf32> -> vector<128x128xf32>
    %get3A_1286 = arith.constant 61 : index
    %get3A_1287 = arith.constant 0 : index
    %get3A_1288 = vector.load %arg3[%get3A_1286, %get3A_1287] : memref<100x128xf32, #tpu.memory_space<vmem>>, vector<1x128xf32>
    %get3A_1289 = vector.shape_cast %get3A_1288 : vector<1x128xf32> to vector<128xf32>
    %broadcast_in_dim3A_1290 = vector.shape_cast %get3A_1289 : vector<128xf32> to vector<1x128xf32>
    %add3A_1291 = vector.broadcast %broadcast_in_dim3A_1290 : vector<1x128xf32> to vector<128x128xf32>
    %add3A_1292 = arith.addf %dot_general3A_1285, %add3A_1291 : vector<128x128xf32>
    %swap3A_1293 = arith.constant 0 : index
    %swap3A_1294 = arith.constant 7808 : index
    %swap3A_1295 = vector.load %arg4[%swap3A_1293, %swap3A_1294] : memref<128x12800xf32, #tpu.memory_space<vmem>>, vector<128x128xf32>
    tpu.vector_store %arg4[%swap3A_1293, %swap3A_1294], %add3A_1292 {strides = array<i32>} : memref<128x12800xf32, #tpu.memory_space<vmem>>, vector<128x128xf32>,
    %get3A_1296 = arith.constant 0 : index
    %get3A_1297 = arith.constant 7936 : index
    %get3A_1298 = vector.load %arg1[%get3A_1296, %get3A_1297] : memref<128x12800xf32, #tpu.memory_space<vmem>>, vector<128x128xf32>
    %convert_element_type3A_1299 = arith.truncf %get3A_1298 : vector<128x128xf32> to vector<128x128xbf16>
    %get3A_1300 = arith.constant 62 : index
    %get3A_1301 = arith.constant 0 : index
    %get3A_1302 = arith.constant 0 : index
    %get3A_1303 = vector.load %arg2[%get3A_1300, %get3A_1301, %get3A_1302] : memref<100x128x128xbf16, #tpu.memory_space<vmem>>, vector<1x128x128xbf16>
    %get3A_1304 = vector.shape_cast %get3A_1303 : vector<1x128x128xbf16> to vector<128x128xbf16>
    %dot_general3A_1305 = arith.constant dense<0.000000e+00> : vector<128x128xf32>
    %dot_general3A_1306 = tpu.matmul %convert_element_type3A_1299, %get3A_1304, %dot_general3A_1305 {dimension_numbers = #tpu.dot_dimension_numbers<[1], [0], [0], [1], [0, 0, 1, 1], [], []>, transpose_lhs_hint = false} : vector<128x128xbf16>, vector<128x128xbf16>, vector<128x128xf32> -> vector<128x128xf32>
    %get3A_1307 = arith.constant 62 : index
    %get3A_1308 = arith.constant 0 : index
    %get3A_1309 = vector.load %arg3[%get3A_1307, %get3A_1308] : memref<100x128xf32, #tpu.memory_space<vmem>>, vector<1x128xf32>
    %get3A_1310 = vector.shape_cast %get3A_1309 : vector<1x128xf32> to vector<128xf32>
    %broadcast_in_dim3A_1311 = vector.shape_cast %get3A_1310 : vector<128xf32> to vector<1x128xf32>
    %add3A_1312 = vector.broadcast %broadcast_in_dim3A_1311 : vector<1x128xf32> to vector<128x128xf32>
    %add3A_1313 = arith.addf %dot_general3A_1306, %add3A_1312 : vector<128x128xf32>
    %swap3A_1314 = arith.constant 0 : index
    %swap3A_1315 = arith.constant 7936 : index
    %swap3A_1316 = vector.load %arg4[%swap3A_1314, %swap3A_1315] : memref<128x12800xf32, #tpu.memory_space<vmem>>, vector<128x128xf32>
    tpu.vector_store %arg4[%swap3A_1314, %swap3A_1315], %add3A_1313 {strides = array<i32>} : memref<128x12800xf32, #tpu.memory_space<vmem>>, vector<128x128xf32>,
    %get3A_1317 = arith.constant 0 : index
    %get3A_1318 = arith.constant 8064 : index
    %get3A_1319 = vector.load %arg1[%get3A_1317, %get3A_1318] : memref<128x12800xf32, #tpu.memory_space<vmem>>, vector<128x128xf32>
    %convert_element_type3A_1320 = arith.truncf %get3A_1319 : vector<128x128xf32> to vector<128x128xbf16>
    %get3A_1321 = arith.constant 63 : index
    %get3A_1322 = arith.constant 0 : index
    %get3A_1323 = arith.constant 0 : index
    %get3A_1324 = vector.load %arg2[%get3A_1321, %get3A_1322, %get3A_1323] : memref<100x128x128xbf16, #tpu.memory_space<vmem>>, vector<1x128x128xbf16>
    %get3A_1325 = vector.shape_cast %get3A_1324 : vector<1x128x128xbf16> to vector<128x128xbf16>
    %dot_general3A_1326 = arith.constant dense<0.000000e+00> : vector<128x128xf32>
    %dot_general3A_1327 = tpu.matmul %convert_element_type3A_1320, %get3A_1325, %dot_general3A_1326 {dimension_numbers = #tpu.dot_dimension_numbers<[1], [0], [0], [1], [0, 0, 1, 1], [], []>, transpose_lhs_hint = false} : vector<128x128xbf16>, vector<128x128xbf16>, vector<128x128xf32> -> vector<128x128xf32>
    %get3A_1328 = arith.constant 63 : index
    %get3A_1329 = arith.constant 0 : index
    %get3A_1330 = vector.load %arg3[%get3A_1328, %get3A_1329] : memref<100x128xf32, #tpu.memory_space<vmem>>, vector<1x128xf32>
    %get3A_1331 = vector.shape_cast %get3A_1330 : vector<1x128xf32> to vector<128xf32>
    %broadcast_in_dim3A_1332 = vector.shape_cast %get3A_1331 : vector<128xf32> to vector<1x128xf32>
    %add3A_1333 = vector.broadcast %broadcast_in_dim3A_1332 : vector<1x128xf32> to vector<128x128xf32>
    %add3A_1334 = arith.addf %dot_general3A_1327, %add3A_1333 : vector<128x128xf32>
    %swap3A_1335 = arith.constant 0 : index
    %swap3A_1336 = arith.constant 8064 : index
    %swap3A_1337 = vector.load %arg4[%swap3A_1335, %swap3A_1336] : memref<128x12800xf32, #tpu.memory_space<vmem>>, vector<128x128xf32>
    tpu.vector_store %arg4[%swap3A_1335, %swap3A_1336], %add3A_1334 {strides = array<i32>} : memref<128x12800xf32, #tpu.memory_space<vmem>>, vector<128x128xf32>,
    %get3A_1338 = arith.constant 0 : index
    %get3A_1339 = arith.constant 8192 : index
    %get3A_1340 = vector.load %arg1[%get3A_1338, %get3A_1339] : memref<128x12800xf32, #tpu.memory_space<vmem>>, vector<128x128xf32>
    %convert_element_type3A_1341 = arith.truncf %get3A_1340 : vector<128x128xf32> to vector<128x128xbf16>
    %get3A_1342 = arith.constant 64 : index
    %get3A_1343 = arith.constant 0 : index
    %get3A_1344 = arith.constant 0 : index
    %get3A_1345 = vector.load %arg2[%get3A_1342, %get3A_1343, %get3A_1344] : memref<100x128x128xbf16, #tpu.memory_space<vmem>>, vector<1x128x128xbf16>
    %get3A_1346 = vector.shape_cast %get3A_1345 : vector<1x128x128xbf16> to vector<128x128xbf16>
    %dot_general3A_1347 = arith.constant dense<0.000000e+00> : vector<128x128xf32>
    %dot_general3A_1348 = tpu.matmul %convert_element_type3A_1341, %get3A_1346, %dot_general3A_1347 {dimension_numbers = #tpu.dot_dimension_numbers<[1], [0], [0], [1], [0, 0, 1, 1], [], []>, transpose_lhs_hint = false} : vector<128x128xbf16>, vector<128x128xbf16>, vector<128x128xf32> -> vector<128x128xf32>
    %get3A_1349 = arith.constant 64 : index
    %get3A_1350 = arith.constant 0 : index
    %get3A_1351 = vector.load %arg3[%get3A_1349, %get3A_1350] : memref<100x128xf32, #tpu.memory_space<vmem>>, vector<1x128xf32>
    %get3A_1352 = vector.shape_cast %get3A_1351 : vector<1x128xf32> to vector<128xf32>
    %broadcast_in_dim3A_1353 = vector.shape_cast %get3A_1352 : vector<128xf32> to vector<1x128xf32>
    %add3A_1354 = vector.broadcast %broadcast_in_dim3A_1353 : vector<1x128xf32> to vector<128x128xf32>
    %add3A_1355 = arith.addf %dot_general3A_1348, %add3A_1354 : vector<128x128xf32>
    %swap3A_1356 = arith.constant 0 : index
    %swap3A_1357 = arith.constant 8192 : index
    %swap3A_1358 = vector.load %arg4[%swap3A_1356, %swap3A_1357] : memref<128x12800xf32, #tpu.memory_space<vmem>>, vector<128x128xf32>
    tpu.vector_store %arg4[%swap3A_1356, %swap3A_1357], %add3A_1355 {strides = array<i32>} : memref<128x12800xf32, #tpu.memory_space<vmem>>, vector<128x128xf32>,
    %get3A_1359 = arith.constant 0 : index
    %get3A_1360 = arith.constant 8320 : index
    %get3A_1361 = vector.load %arg1[%get3A_1359, %get3A_1360] : memref<128x12800xf32, #tpu.memory_space<vmem>>, vector<128x128xf32>
    %convert_element_type3A_1362 = arith.truncf %get3A_1361 : vector<128x128xf32> to vector<128x128xbf16>
    %get3A_1363 = arith.constant 65 : index
    %get3A_1364 = arith.constant 0 : index
    %get3A_1365 = arith.constant 0 : index
    %get3A_1366 = vector.load %arg2[%get3A_1363, %get3A_1364, %get3A_1365] : memref<100x128x128xbf16, #tpu.memory_space<vmem>>, vector<1x128x128xbf16>
    %get3A_1367 = vector.shape_cast %get3A_1366 : vector<1x128x128xbf16> to vector<128x128xbf16>
    %dot_general3A_1368 = arith.constant dense<0.000000e+00> : vector<128x128xf32>
    %dot_general3A_1369 = tpu.matmul %convert_element_type3A_1362, %get3A_1367, %dot_general3A_1368 {dimension_numbers = #tpu.dot_dimension_numbers<[1], [0], [0], [1], [0, 0, 1, 1], [], []>, transpose_lhs_hint = false} : vector<128x128xbf16>, vector<128x128xbf16>, vector<128x128xf32> -> vector<128x128xf32>
    %get3A_1370 = arith.constant 65 : index
    %get3A_1371 = arith.constant 0 : index
    %get3A_1372 = vector.load %arg3[%get3A_1370, %get3A_1371] : memref<100x128xf32, #tpu.memory_space<vmem>>, vector<1x128xf32>
    %get3A_1373 = vector.shape_cast %get3A_1372 : vector<1x128xf32> to vector<128xf32>
    %broadcast_in_dim3A_1374 = vector.shape_cast %get3A_1373 : vector<128xf32> to vector<1x128xf32>
    %add3A_1375 = vector.broadcast %broadcast_in_dim3A_1374 : vector<1x128xf32> to vector<128x128xf32>
    %add3A_1376 = arith.addf %dot_general3A_1369, %add3A_1375 : vector<128x128xf32>
    %swap3A_1377 = arith.constant 0 : index
    %swap3A_1378 = arith.constant 8320 : index
    %swap3A_1379 = vector.load %arg4[%swap3A_1377, %swap3A_1378] : memref<128x12800xf32, #tpu.memory_space<vmem>>, vector<128x128xf32>
    tpu.vector_store %arg4[%swap3A_1377, %swap3A_1378], %add3A_1376 {strides = array<i32>} : memref<128x12800xf32, #tpu.memory_space<vmem>>, vector<128x128xf32>,
    %get3A_1380 = arith.constant 0 : index
    %get3A_1381 = arith.constant 8448 : index
    %get3A_1382 = vector.load %arg1[%get3A_1380, %get3A_1381] : memref<128x12800xf32, #tpu.memory_space<vmem>>, vector<128x128xf32>
    %convert_element_type3A_1383 = arith.truncf %get3A_1382 : vector<128x128xf32> to vector<128x128xbf16>
    %get3A_1384 = arith.constant 66 : index
    %get3A_1385 = arith.constant 0 : index
    %get3A_1386 = arith.constant 0 : index
    %get3A_1387 = vector.load %arg2[%get3A_1384, %get3A_1385, %get3A_1386] : memref<100x128x128xbf16, #tpu.memory_space<vmem>>, vector<1x128x128xbf16>
    %get3A_1388 = vector.shape_cast %get3A_1387 : vector<1x128x128xbf16> to vector<128x128xbf16>
    %dot_general3A_1389 = arith.constant dense<0.000000e+00> : vector<128x128xf32>
    %dot_general3A_1390 = tpu.matmul %convert_element_type3A_1383, %get3A_1388, %dot_general3A_1389 {dimension_numbers = #tpu.dot_dimension_numbers<[1], [0], [0], [1], [0, 0, 1, 1], [], []>, transpose_lhs_hint = false} : vector<128x128xbf16>, vector<128x128xbf16>, vector<128x128xf32> -> vector<128x128xf32>
    %get3A_1391 = arith.constant 66 : index
    %get3A_1392 = arith.constant 0 : index
    %get3A_1393 = vector.load %arg3[%get3A_1391, %get3A_1392] : memref<100x128xf32, #tpu.memory_space<vmem>>, vector<1x128xf32>
    %get3A_1394 = vector.shape_cast %get3A_1393 : vector<1x128xf32> to vector<128xf32>
    %broadcast_in_dim3A_1395 = vector.shape_cast %get3A_1394 : vector<128xf32> to vector<1x128xf32>
    %add3A_1396 = vector.broadcast %broadcast_in_dim3A_1395 : vector<1x128xf32> to vector<128x128xf32>
    %add3A_1397 = arith.addf %dot_general3A_1390, %add3A_1396 : vector<128x128xf32>
    %swap3A_1398 = arith.constant 0 : index
    %swap3A_1399 = arith.constant 8448 : index
    %swap3A_1400 = vector.load %arg4[%swap3A_1398, %swap3A_1399] : memref<128x12800xf32, #tpu.memory_space<vmem>>, vector<128x128xf32>
    tpu.vector_store %arg4[%swap3A_1398, %swap3A_1399], %add3A_1397 {strides = array<i32>} : memref<128x12800xf32, #tpu.memory_space<vmem>>, vector<128x128xf32>,
    %get3A_1401 = arith.constant 0 : index
    %get3A_1402 = arith.constant 8576 : index
    %get3A_1403 = vector.load %arg1[%get3A_1401, %get3A_1402] : memref<128x12800xf32, #tpu.memory_space<vmem>>, vector<128x128xf32>
    %convert_element_type3A_1404 = arith.truncf %get3A_1403 : vector<128x128xf32> to vector<128x128xbf16>
    %get3A_1405 = arith.constant 67 : index
    %get3A_1406 = arith.constant 0 : index
    %get3A_1407 = arith.constant 0 : index
    %get3A_1408 = vector.load %arg2[%get3A_1405, %get3A_1406, %get3A_1407] : memref<100x128x128xbf16, #tpu.memory_space<vmem>>, vector<1x128x128xbf16>
    %get3A_1409 = vector.shape_cast %get3A_1408 : vector<1x128x128xbf16> to vector<128x128xbf16>
    %dot_general3A_1410 = arith.constant dense<0.000000e+00> : vector<128x128xf32>
    %dot_general3A_1411 = tpu.matmul %convert_element_type3A_1404, %get3A_1409, %dot_general3A_1410 {dimension_numbers = #tpu.dot_dimension_numbers<[1], [0], [0], [1], [0, 0, 1, 1], [], []>, transpose_lhs_hint = false} : vector<128x128xbf16>, vector<128x128xbf16>, vector<128x128xf32> -> vector<128x128xf32>
    %get3A_1412 = arith.constant 67 : index
    %get3A_1413 = arith.constant 0 : index
    %get3A_1414 = vector.load %arg3[%get3A_1412, %get3A_1413] : memref<100x128xf32, #tpu.memory_space<vmem>>, vector<1x128xf32>
    %get3A_1415 = vector.shape_cast %get3A_1414 : vector<1x128xf32> to vector<128xf32>
    %broadcast_in_dim3A_1416 = vector.shape_cast %get3A_1415 : vector<128xf32> to vector<1x128xf32>
    %add3A_1417 = vector.broadcast %broadcast_in_dim3A_1416 : vector<1x128xf32> to vector<128x128xf32>
    %add3A_1418 = arith.addf %dot_general3A_1411, %add3A_1417 : vector<128x128xf32>
    %swap3A_1419 = arith.constant 0 : index
    %swap3A_1420 = arith.constant 8576 : index
    %swap3A_1421 = vector.load %arg4[%swap3A_1419, %swap3A_1420] : memref<128x12800xf32, #tpu.memory_space<vmem>>, vector<128x128xf32>
    tpu.vector_store %arg4[%swap3A_1419, %swap3A_1420], %add3A_1418 {strides = array<i32>} : memref<128x12800xf32, #tpu.memory_space<vmem>>, vector<128x128xf32>,
    %get3A_1422 = arith.constant 0 : index
    %get3A_1423 = arith.constant 8704 : index
    %get3A_1424 = vector.load %arg1[%get3A_1422, %get3A_1423] : memref<128x12800xf32, #tpu.memory_space<vmem>>, vector<128x128xf32>
    %convert_element_type3A_1425 = arith.truncf %get3A_1424 : vector<128x128xf32> to vector<128x128xbf16>
    %get3A_1426 = arith.constant 68 : index
    %get3A_1427 = arith.constant 0 : index
    %get3A_1428 = arith.constant 0 : index
    %get3A_1429 = vector.load %arg2[%get3A_1426, %get3A_1427, %get3A_1428] : memref<100x128x128xbf16, #tpu.memory_space<vmem>>, vector<1x128x128xbf16>
    %get3A_1430 = vector.shape_cast %get3A_1429 : vector<1x128x128xbf16> to vector<128x128xbf16>
    %dot_general3A_1431 = arith.constant dense<0.000000e+00> : vector<128x128xf32>
    %dot_general3A_1432 = tpu.matmul %convert_element_type3A_1425, %get3A_1430, %dot_general3A_1431 {dimension_numbers = #tpu.dot_dimension_numbers<[1], [0], [0], [1], [0, 0, 1, 1], [], []>, transpose_lhs_hint = false} : vector<128x128xbf16>, vector<128x128xbf16>, vector<128x128xf32> -> vector<128x128xf32>
    %get3A_1433 = arith.constant 68 : index
    %get3A_1434 = arith.constant 0 : index
    %get3A_1435 = vector.load %arg3[%get3A_1433, %get3A_1434] : memref<100x128xf32, #tpu.memory_space<vmem>>, vector<1x128xf32>
    %get3A_1436 = vector.shape_cast %get3A_1435 : vector<1x128xf32> to vector<128xf32>
    %broadcast_in_dim3A_1437 = vector.shape_cast %get3A_1436 : vector<128xf32> to vector<1x128xf32>
    %add3A_1438 = vector.broadcast %broadcast_in_dim3A_1437 : vector<1x128xf32> to vector<128x128xf32>
    %add3A_1439 = arith.addf %dot_general3A_1432, %add3A_1438 : vector<128x128xf32>
    %swap3A_1440 = arith.constant 0 : index
    %swap3A_1441 = arith.constant 8704 : index
    %swap3A_1442 = vector.load %arg4[%swap3A_1440, %swap3A_1441] : memref<128x12800xf32, #tpu.memory_space<vmem>>, vector<128x128xf32>
    tpu.vector_store %arg4[%swap3A_1440, %swap3A_1441], %add3A_1439 {strides = array<i32>} : memref<128x12800xf32, #tpu.memory_space<vmem>>, vector<128x128xf32>,
    %get3A_1443 = arith.constant 0 : index
    %get3A_1444 = arith.constant 8832 : index
    %get3A_1445 = vector.load %arg1[%get3A_1443, %get3A_1444] : memref<128x12800xf32, #tpu.memory_space<vmem>>, vector<128x128xf32>
    %convert_element_type3A_1446 = arith.truncf %get3A_1445 : vector<128x128xf32> to vector<128x128xbf16>
    %get3A_1447 = arith.constant 69 : index
    %get3A_1448 = arith.constant 0 : index
    %get3A_1449 = arith.constant 0 : index
    %get3A_1450 = vector.load %arg2[%get3A_1447, %get3A_1448, %get3A_1449] : memref<100x128x128xbf16, #tpu.memory_space<vmem>>, vector<1x128x128xbf16>
    %get3A_1451 = vector.shape_cast %get3A_1450 : vector<1x128x128xbf16> to vector<128x128xbf16>
    %dot_general3A_1452 = arith.constant dense<0.000000e+00> : vector<128x128xf32>
    %dot_general3A_1453 = tpu.matmul %convert_element_type3A_1446, %get3A_1451, %dot_general3A_1452 {dimension_numbers = #tpu.dot_dimension_numbers<[1], [0], [0], [1], [0, 0, 1, 1], [], []>, transpose_lhs_hint = false} : vector<128x128xbf16>, vector<128x128xbf16>, vector<128x128xf32> -> vector<128x128xf32>
    %get3A_1454 = arith.constant 69 : index
    %get3A_1455 = arith.constant 0 : index
    %get3A_1456 = vector.load %arg3[%get3A_1454, %get3A_1455] : memref<100x128xf32, #tpu.memory_space<vmem>>, vector<1x128xf32>
    %get3A_1457 = vector.shape_cast %get3A_1456 : vector<1x128xf32> to vector<128xf32>
    %broadcast_in_dim3A_1458 = vector.shape_cast %get3A_1457 : vector<128xf32> to vector<1x128xf32>
    %add3A_1459 = vector.broadcast %broadcast_in_dim3A_1458 : vector<1x128xf32> to vector<128x128xf32>
    %add3A_1460 = arith.addf %dot_general3A_1453, %add3A_1459 : vector<128x128xf32>
    %swap3A_1461 = arith.constant 0 : index
    %swap3A_1462 = arith.constant 8832 : index
    %swap3A_1463 = vector.load %arg4[%swap3A_1461, %swap3A_1462] : memref<128x12800xf32, #tpu.memory_space<vmem>>, vector<128x128xf32>
    tpu.vector_store %arg4[%swap3A_1461, %swap3A_1462], %add3A_1460 {strides = array<i32>} : memref<128x12800xf32, #tpu.memory_space<vmem>>, vector<128x128xf32>,
    %get3A_1464 = arith.constant 0 : index
    %get3A_1465 = arith.constant 8960 : index
    %get3A_1466 = vector.load %arg1[%get3A_1464, %get3A_1465] : memref<128x12800xf32, #tpu.memory_space<vmem>>, vector<128x128xf32>
    %convert_element_type3A_1467 = arith.truncf %get3A_1466 : vector<128x128xf32> to vector<128x128xbf16>
    %get3A_1468 = arith.constant 70 : index
    %get3A_1469 = arith.constant 0 : index
    %get3A_1470 = arith.constant 0 : index
    %get3A_1471 = vector.load %arg2[%get3A_1468, %get3A_1469, %get3A_1470] : memref<100x128x128xbf16, #tpu.memory_space<vmem>>, vector<1x128x128xbf16>
    %get3A_1472 = vector.shape_cast %get3A_1471 : vector<1x128x128xbf16> to vector<128x128xbf16>
    %dot_general3A_1473 = arith.constant dense<0.000000e+00> : vector<128x128xf32>
    %dot_general3A_1474 = tpu.matmul %convert_element_type3A_1467, %get3A_1472, %dot_general3A_1473 {dimension_numbers = #tpu.dot_dimension_numbers<[1], [0], [0], [1], [0, 0, 1, 1], [], []>, transpose_lhs_hint = false} : vector<128x128xbf16>, vector<128x128xbf16>, vector<128x128xf32> -> vector<128x128xf32>
    %get3A_1475 = arith.constant 70 : index
    %get3A_1476 = arith.constant 0 : index
    %get3A_1477 = vector.load %arg3[%get3A_1475, %get3A_1476] : memref<100x128xf32, #tpu.memory_space<vmem>>, vector<1x128xf32>
    %get3A_1478 = vector.shape_cast %get3A_1477 : vector<1x128xf32> to vector<128xf32>
    %broadcast_in_dim3A_1479 = vector.shape_cast %get3A_1478 : vector<128xf32> to vector<1x128xf32>
    %add3A_1480 = vector.broadcast %broadcast_in_dim3A_1479 : vector<1x128xf32> to vector<128x128xf32>
    %add3A_1481 = arith.addf %dot_general3A_1474, %add3A_1480 : vector<128x128xf32>
    %swap3A_1482 = arith.constant 0 : index
    %swap3A_1483 = arith.constant 8960 : index
    %swap3A_1484 = vector.load %arg4[%swap3A_1482, %swap3A_1483] : memref<128x12800xf32, #tpu.memory_space<vmem>>, vector<128x128xf32>
    tpu.vector_store %arg4[%swap3A_1482, %swap3A_1483], %add3A_1481 {strides = array<i32>} : memref<128x12800xf32, #tpu.memory_space<vmem>>, vector<128x128xf32>,
    %get3A_1485 = arith.constant 0 : index
    %get3A_1486 = arith.constant 9088 : index
    %get3A_1487 = vector.load %arg1[%get3A_1485, %get3A_1486] : memref<128x12800xf32, #tpu.memory_space<vmem>>, vector<128x128xf32>
    %convert_element_type3A_1488 = arith.truncf %get3A_1487 : vector<128x128xf32> to vector<128x128xbf16>
    %get3A_1489 = arith.constant 71 : index
    %get3A_1490 = arith.constant 0 : index
    %get3A_1491 = arith.constant 0 : index
    %get3A_1492 = vector.load %arg2[%get3A_1489, %get3A_1490, %get3A_1491] : memref<100x128x128xbf16, #tpu.memory_space<vmem>>, vector<1x128x128xbf16>
    %get3A_1493 = vector.shape_cast %get3A_1492 : vector<1x128x128xbf16> to vector<128x128xbf16>
    %dot_general3A_1494 = arith.constant dense<0.000000e+00> : vector<128x128xf32>
    %dot_general3A_1495 = tpu.matmul %convert_element_type3A_1488, %get3A_1493, %dot_general3A_1494 {dimension_numbers = #tpu.dot_dimension_numbers<[1], [0], [0], [1], [0, 0, 1, 1], [], []>, transpose_lhs_hint = false} : vector<128x128xbf16>, vector<128x128xbf16>, vector<128x128xf32> -> vector<128x128xf32>
    %get3A_1496 = arith.constant 71 : index
    %get3A_1497 = arith.constant 0 : index
    %get3A_1498 = vector.load %arg3[%get3A_1496, %get3A_1497] : memref<100x128xf32, #tpu.memory_space<vmem>>, vector<1x128xf32>
    %get3A_1499 = vector.shape_cast %get3A_1498 : vector<1x128xf32> to vector<128xf32>
    %broadcast_in_dim3A_1500 = vector.shape_cast %get3A_1499 : vector<128xf32> to vector<1x128xf32>
    %add3A_1501 = vector.broadcast %broadcast_in_dim3A_1500 : vector<1x128xf32> to vector<128x128xf32>
    %add3A_1502 = arith.addf %dot_general3A_1495, %add3A_1501 : vector<128x128xf32>
    %swap3A_1503 = arith.constant 0 : index
    %swap3A_1504 = arith.constant 9088 : index
    %swap3A_1505 = vector.load %arg4[%swap3A_1503, %swap3A_1504] : memref<128x12800xf32, #tpu.memory_space<vmem>>, vector<128x128xf32>
    tpu.vector_store %arg4[%swap3A_1503, %swap3A_1504], %add3A_1502 {strides = array<i32>} : memref<128x12800xf32, #tpu.memory_space<vmem>>, vector<128x128xf32>,
    %get3A_1506 = arith.constant 0 : index
    %get3A_1507 = arith.constant 9216 : index
    %get3A_1508 = vector.load %arg1[%get3A_1506, %get3A_1507] : memref<128x12800xf32, #tpu.memory_space<vmem>>, vector<128x128xf32>
    %convert_element_type3A_1509 = arith.truncf %get3A_1508 : vector<128x128xf32> to vector<128x128xbf16>
    %get3A_1510 = arith.constant 72 : index
    %get3A_1511 = arith.constant 0 : index
    %get3A_1512 = arith.constant 0 : index
    %get3A_1513 = vector.load %arg2[%get3A_1510, %get3A_1511, %get3A_1512] : memref<100x128x128xbf16, #tpu.memory_space<vmem>>, vector<1x128x128xbf16>
    %get3A_1514 = vector.shape_cast %get3A_1513 : vector<1x128x128xbf16> to vector<128x128xbf16>
    %dot_general3A_1515 = arith.constant dense<0.000000e+00> : vector<128x128xf32>
    %dot_general3A_1516 = tpu.matmul %convert_element_type3A_1509, %get3A_1514, %dot_general3A_1515 {dimension_numbers = #tpu.dot_dimension_numbers<[1], [0], [0], [1], [0, 0, 1, 1], [], []>, transpose_lhs_hint = false} : vector<128x128xbf16>, vector<128x128xbf16>, vector<128x128xf32> -> vector<128x128xf32>
    %get3A_1517 = arith.constant 72 : index
    %get3A_1518 = arith.constant 0 : index
    %get3A_1519 = vector.load %arg3[%get3A_1517, %get3A_1518] : memref<100x128xf32, #tpu.memory_space<vmem>>, vector<1x128xf32>
    %get3A_1520 = vector.shape_cast %get3A_1519 : vector<1x128xf32> to vector<128xf32>
    %broadcast_in_dim3A_1521 = vector.shape_cast %get3A_1520 : vector<128xf32> to vector<1x128xf32>
    %add3A_1522 = vector.broadcast %broadcast_in_dim3A_1521 : vector<1x128xf32> to vector<128x128xf32>
    %add3A_1523 = arith.addf %dot_general3A_1516, %add3A_1522 : vector<128x128xf32>
    %swap3A_1524 = arith.constant 0 : index
    %swap3A_1525 = arith.constant 9216 : index
    %swap3A_1526 = vector.load %arg4[%swap3A_1524, %swap3A_1525] : memref<128x12800xf32, #tpu.memory_space<vmem>>, vector<128x128xf32>
    tpu.vector_store %arg4[%swap3A_1524, %swap3A_1525], %add3A_1523 {strides = array<i32>} : memref<128x12800xf32, #tpu.memory_space<vmem>>, vector<128x128xf32>,
    %get3A_1527 = arith.constant 0 : index
    %get3A_1528 = arith.constant 9344 : index
    %get3A_1529 = vector.load %arg1[%get3A_1527, %get3A_1528] : memref<128x12800xf32, #tpu.memory_space<vmem>>, vector<128x128xf32>
    %convert_element_type3A_1530 = arith.truncf %get3A_1529 : vector<128x128xf32> to vector<128x128xbf16>
    %get3A_1531 = arith.constant 73 : index
    %get3A_1532 = arith.constant 0 : index
    %get3A_1533 = arith.constant 0 : index
    %get3A_1534 = vector.load %arg2[%get3A_1531, %get3A_1532, %get3A_1533] : memref<100x128x128xbf16, #tpu.memory_space<vmem>>, vector<1x128x128xbf16>
    %get3A_1535 = vector.shape_cast %get3A_1534 : vector<1x128x128xbf16> to vector<128x128xbf16>
    %dot_general3A_1536 = arith.constant dense<0.000000e+00> : vector<128x128xf32>
    %dot_general3A_1537 = tpu.matmul %convert_element_type3A_1530, %get3A_1535, %dot_general3A_1536 {dimension_numbers = #tpu.dot_dimension_numbers<[1], [0], [0], [1], [0, 0, 1, 1], [], []>, transpose_lhs_hint = false} : vector<128x128xbf16>, vector<128x128xbf16>, vector<128x128xf32> -> vector<128x128xf32>
    %get3A_1538 = arith.constant 73 : index
    %get3A_1539 = arith.constant 0 : index
    %get3A_1540 = vector.load %arg3[%get3A_1538, %get3A_1539] : memref<100x128xf32, #tpu.memory_space<vmem>>, vector<1x128xf32>
    %get3A_1541 = vector.shape_cast %get3A_1540 : vector<1x128xf32> to vector<128xf32>
    %broadcast_in_dim3A_1542 = vector.shape_cast %get3A_1541 : vector<128xf32> to vector<1x128xf32>
    %add3A_1543 = vector.broadcast %broadcast_in_dim3A_1542 : vector<1x128xf32> to vector<128x128xf32>
    %add3A_1544 = arith.addf %dot_general3A_1537, %add3A_1543 : vector<128x128xf32>
    %swap3A_1545 = arith.constant 0 : index
    %swap3A_1546 = arith.constant 9344 : index
    %swap3A_1547 = vector.load %arg4[%swap3A_1545, %swap3A_1546] : memref<128x12800xf32, #tpu.memory_space<vmem>>, vector<128x128xf32>
    tpu.vector_store %arg4[%swap3A_1545, %swap3A_1546], %add3A_1544 {strides = array<i32>} : memref<128x12800xf32, #tpu.memory_space<vmem>>, vector<128x128xf32>,
    %get3A_1548 = arith.constant 0 : index
    %get3A_1549 = arith.constant 9472 : index
    %get3A_1550 = vector.load %arg1[%get3A_1548, %get3A_1549] : memref<128x12800xf32, #tpu.memory_space<vmem>>, vector<128x128xf32>
    %convert_element_type3A_1551 = arith.truncf %get3A_1550 : vector<128x128xf32> to vector<128x128xbf16>
    %get3A_1552 = arith.constant 74 : index
    %get3A_1553 = arith.constant 0 : index
    %get3A_1554 = arith.constant 0 : index
    %get3A_1555 = vector.load %arg2[%get3A_1552, %get3A_1553, %get3A_1554] : memref<100x128x128xbf16, #tpu.memory_space<vmem>>, vector<1x128x128xbf16>
    %get3A_1556 = vector.shape_cast %get3A_1555 : vector<1x128x128xbf16> to vector<128x128xbf16>
    %dot_general3A_1557 = arith.constant dense<0.000000e+00> : vector<128x128xf32>
    %dot_general3A_1558 = tpu.matmul %convert_element_type3A_1551, %get3A_1556, %dot_general3A_1557 {dimension_numbers = #tpu.dot_dimension_numbers<[1], [0], [0], [1], [0, 0, 1, 1], [], []>, transpose_lhs_hint = false} : vector<128x128xbf16>, vector<128x128xbf16>, vector<128x128xf32> -> vector<128x128xf32>
    %get3A_1559 = arith.constant 74 : index
    %get3A_1560 = arith.constant 0 : index
    %get3A_1561 = vector.load %arg3[%get3A_1559, %get3A_1560] : memref<100x128xf32, #tpu.memory_space<vmem>>, vector<1x128xf32>
    %get3A_1562 = vector.shape_cast %get3A_1561 : vector<1x128xf32> to vector<128xf32>
    %broadcast_in_dim3A_1563 = vector.shape_cast %get3A_1562 : vector<128xf32> to vector<1x128xf32>
    %add3A_1564 = vector.broadcast %broadcast_in_dim3A_1563 : vector<1x128xf32> to vector<128x128xf32>
    %add3A_1565 = arith.addf %dot_general3A_1558, %add3A_1564 : vector<128x128xf32>
    %swap3A_1566 = arith.constant 0 : index
    %swap3A_1567 = arith.constant 9472 : index
    %swap3A_1568 = vector.load %arg4[%swap3A_1566, %swap3A_1567] : memref<128x12800xf32, #tpu.memory_space<vmem>>, vector<128x128xf32>
    tpu.vector_store %arg4[%swap3A_1566, %swap3A_1567], %add3A_1565 {strides = array<i32>} : memref<128x12800xf32, #tpu.memory_space<vmem>>, vector<128x128xf32>,
    %get3A_1569 = arith.constant 0 : index
    %get3A_1570 = arith.constant 9600 : index
    %get3A_1571 = vector.load %arg1[%get3A_1569, %get3A_1570] : memref<128x12800xf32, #tpu.memory_space<vmem>>, vector<128x128xf32>
    %convert_element_type3A_1572 = arith.truncf %get3A_1571 : vector<128x128xf32> to vector<128x128xbf16>
    %get3A_1573 = arith.constant 75 : index
    %get3A_1574 = arith.constant 0 : index
    %get3A_1575 = arith.constant 0 : index
    %get3A_1576 = vector.load %arg2[%get3A_1573, %get3A_1574, %get3A_1575] : memref<100x128x128xbf16, #tpu.memory_space<vmem>>, vector<1x128x128xbf16>
    %get3A_1577 = vector.shape_cast %get3A_1576 : vector<1x128x128xbf16> to vector<128x128xbf16>
    %dot_general3A_1578 = arith.constant dense<0.000000e+00> : vector<128x128xf32>
    %dot_general3A_1579 = tpu.matmul %convert_element_type3A_1572, %get3A_1577, %dot_general3A_1578 {dimension_numbers = #tpu.dot_dimension_numbers<[1], [0], [0], [1], [0, 0, 1, 1], [], []>, transpose_lhs_hint = false} : vector<128x128xbf16>, vector<128x128xbf16>, vector<128x128xf32> -> vector<128x128xf32>
    %get3A_1580 = arith.constant 75 : index
    %get3A_1581 = arith.constant 0 : index
    %get3A_1582 = vector.load %arg3[%get3A_1580, %get3A_1581] : memref<100x128xf32, #tpu.memory_space<vmem>>, vector<1x128xf32>
    %get3A_1583 = vector.shape_cast %get3A_1582 : vector<1x128xf32> to vector<128xf32>
    %broadcast_in_dim3A_1584 = vector.shape_cast %get3A_1583 : vector<128xf32> to vector<1x128xf32>
    %add3A_1585 = vector.broadcast %broadcast_in_dim3A_1584 : vector<1x128xf32> to vector<128x128xf32>
    %add3A_1586 = arith.addf %dot_general3A_1579, %add3A_1585 : vector<128x128xf32>
    %swap3A_1587 = arith.constant 0 : index
    %swap3A_1588 = arith.constant 9600 : index
    %swap3A_1589 = vector.load %arg4[%swap3A_1587, %swap3A_1588] : memref<128x12800xf32, #tpu.memory_space<vmem>>, vector<128x128xf32>
    tpu.vector_store %arg4[%swap3A_1587, %swap3A_1588], %add3A_1586 {strides = array<i32>} : memref<128x12800xf32, #tpu.memory_space<vmem>>, vector<128x128xf32>,
    %get3A_1590 = arith.constant 0 : index
    %get3A_1591 = arith.constant 9728 : index
    %get3A_1592 = vector.load %arg1[%get3A_1590, %get3A_1591] : memref<128x12800xf32, #tpu.memory_space<vmem>>, vector<128x128xf32>
    %convert_element_type3A_1593 = arith.truncf %get3A_1592 : vector<128x128xf32> to vector<128x128xbf16>
    %get3A_1594 = arith.constant 76 : index
    %get3A_1595 = arith.constant 0 : index
    %get3A_1596 = arith.constant 0 : index
    %get3A_1597 = vector.load %arg2[%get3A_1594, %get3A_1595, %get3A_1596] : memref<100x128x128xbf16, #tpu.memory_space<vmem>>, vector<1x128x128xbf16>
    %get3A_1598 = vector.shape_cast %get3A_1597 : vector<1x128x128xbf16> to vector<128x128xbf16>
    %dot_general3A_1599 = arith.constant dense<0.000000e+00> : vector<128x128xf32>
    %dot_general3A_1600 = tpu.matmul %convert_element_type3A_1593, %get3A_1598, %dot_general3A_1599 {dimension_numbers = #tpu.dot_dimension_numbers<[1], [0], [0], [1], [0, 0, 1, 1], [], []>, transpose_lhs_hint = false} : vector<128x128xbf16>, vector<128x128xbf16>, vector<128x128xf32> -> vector<128x128xf32>
    %get3A_1601 = arith.constant 76 : index
    %get3A_1602 = arith.constant 0 : index
    %get3A_1603 = vector.load %arg3[%get3A_1601, %get3A_1602] : memref<100x128xf32, #tpu.memory_space<vmem>>, vector<1x128xf32>
    %get3A_1604 = vector.shape_cast %get3A_1603 : vector<1x128xf32> to vector<128xf32>
    %broadcast_in_dim3A_1605 = vector.shape_cast %get3A_1604 : vector<128xf32> to vector<1x128xf32>
    %add3A_1606 = vector.broadcast %broadcast_in_dim3A_1605 : vector<1x128xf32> to vector<128x128xf32>
    %add3A_1607 = arith.addf %dot_general3A_1600, %add3A_1606 : vector<128x128xf32>
    %swap3A_1608 = arith.constant 0 : index
    %swap3A_1609 = arith.constant 9728 : index
    %swap3A_1610 = vector.load %arg4[%swap3A_1608, %swap3A_1609] : memref<128x12800xf32, #tpu.memory_space<vmem>>, vector<128x128xf32>
    tpu.vector_store %arg4[%swap3A_1608, %swap3A_1609], %add3A_1607 {strides = array<i32>} : memref<128x12800xf32, #tpu.memory_space<vmem>>, vector<128x128xf32>,
    %get3A_1611 = arith.constant 0 : index
    %get3A_1612 = arith.constant 9856 : index
    %get3A_1613 = vector.load %arg1[%get3A_1611, %get3A_1612] : memref<128x12800xf32, #tpu.memory_space<vmem>>, vector<128x128xf32>
    %convert_element_type3A_1614 = arith.truncf %get3A_1613 : vector<128x128xf32> to vector<128x128xbf16>
    %get3A_1615 = arith.constant 77 : index
    %get3A_1616 = arith.constant 0 : index
    %get3A_1617 = arith.constant 0 : index
    %get3A_1618 = vector.load %arg2[%get3A_1615, %get3A_1616, %get3A_1617] : memref<100x128x128xbf16, #tpu.memory_space<vmem>>, vector<1x128x128xbf16>
    %get3A_1619 = vector.shape_cast %get3A_1618 : vector<1x128x128xbf16> to vector<128x128xbf16>
    %dot_general3A_1620 = arith.constant dense<0.000000e+00> : vector<128x128xf32>
    %dot_general3A_1621 = tpu.matmul %convert_element_type3A_1614, %get3A_1619, %dot_general3A_1620 {dimension_numbers = #tpu.dot_dimension_numbers<[1], [0], [0], [1], [0, 0, 1, 1], [], []>, transpose_lhs_hint = false} : vector<128x128xbf16>, vector<128x128xbf16>, vector<128x128xf32> -> vector<128x128xf32>
    %get3A_1622 = arith.constant 77 : index
    %get3A_1623 = arith.constant 0 : index
    %get3A_1624 = vector.load %arg3[%get3A_1622, %get3A_1623] : memref<100x128xf32, #tpu.memory_space<vmem>>, vector<1x128xf32>
    %get3A_1625 = vector.shape_cast %get3A_1624 : vector<1x128xf32> to vector<128xf32>
    %broadcast_in_dim3A_1626 = vector.shape_cast %get3A_1625 : vector<128xf32> to vector<1x128xf32>
    %add3A_1627 = vector.broadcast %broadcast_in_dim3A_1626 : vector<1x128xf32> to vector<128x128xf32>
    %add3A_1628 = arith.addf %dot_general3A_1621, %add3A_1627 : vector<128x128xf32>
    %swap3A_1629 = arith.constant 0 : index
    %swap3A_1630 = arith.constant 9856 : index
    %swap3A_1631 = vector.load %arg4[%swap3A_1629, %swap3A_1630] : memref<128x12800xf32, #tpu.memory_space<vmem>>, vector<128x128xf32>
    tpu.vector_store %arg4[%swap3A_1629, %swap3A_1630], %add3A_1628 {strides = array<i32>} : memref<128x12800xf32, #tpu.memory_space<vmem>>, vector<128x128xf32>,
    %get3A_1632 = arith.constant 0 : index
    %get3A_1633 = arith.constant 9984 : index
    %get3A_1634 = vector.load %arg1[%get3A_1632, %get3A_1633] : memref<128x12800xf32, #tpu.memory_space<vmem>>, vector<128x128xf32>
    %convert_element_type3A_1635 = arith.truncf %get3A_1634 : vector<128x128xf32> to vector<128x128xbf16>
    %get3A_1636 = arith.constant 78 : index
    %get3A_1637 = arith.constant 0 : index
    %get3A_1638 = arith.constant 0 : index
    %get3A_1639 = vector.load %arg2[%get3A_1636, %get3A_1637, %get3A_1638] : memref<100x128x128xbf16, #tpu.memory_space<vmem>>, vector<1x128x128xbf16>
    %get3A_1640 = vector.shape_cast %get3A_1639 : vector<1x128x128xbf16> to vector<128x128xbf16>
    %dot_general3A_1641 = arith.constant dense<0.000000e+00> : vector<128x128xf32>
    %dot_general3A_1642 = tpu.matmul %convert_element_type3A_1635, %get3A_1640, %dot_general3A_1641 {dimension_numbers = #tpu.dot_dimension_numbers<[1], [0], [0], [1], [0, 0, 1, 1], [], []>, transpose_lhs_hint = false} : vector<128x128xbf16>, vector<128x128xbf16>, vector<128x128xf32> -> vector<128x128xf32>
    %get3A_1643 = arith.constant 78 : index
    %get3A_1644 = arith.constant 0 : index
    %get3A_1645 = vector.load %arg3[%get3A_1643, %get3A_1644] : memref<100x128xf32, #tpu.memory_space<vmem>>, vector<1x128xf32>
    %get3A_1646 = vector.shape_cast %get3A_1645 : vector<1x128xf32> to vector<128xf32>
    %broadcast_in_dim3A_1647 = vector.shape_cast %get3A_1646 : vector<128xf32> to vector<1x128xf32>
    %add3A_1648 = vector.broadcast %broadcast_in_dim3A_1647 : vector<1x128xf32> to vector<128x128xf32>
    %add3A_1649 = arith.addf %dot_general3A_1642, %add3A_1648 : vector<128x128xf32>
    %swap3A_1650 = arith.constant 0 : index
    %swap3A_1651 = arith.constant 9984 : index
    %swap3A_1652 = vector.load %arg4[%swap3A_1650, %swap3A_1651] : memref<128x12800xf32, #tpu.memory_space<vmem>>, vector<128x128xf32>
    tpu.vector_store %arg4[%swap3A_1650, %swap3A_1651], %add3A_1649 {strides = array<i32>} : memref<128x12800xf32, #tpu.memory_space<vmem>>, vector<128x128xf32>,
    %get3A_1653 = arith.constant 0 : index
    %get3A_1654 = arith.constant 10112 : index
    %get3A_1655 = vector.load %arg1[%get3A_1653, %get3A_1654] : memref<128x12800xf32, #tpu.memory_space<vmem>>, vector<128x128xf32>
    %convert_element_type3A_1656 = arith.truncf %get3A_1655 : vector<128x128xf32> to vector<128x128xbf16>
    %get3A_1657 = arith.constant 79 : index
    %get3A_1658 = arith.constant 0 : index
    %get3A_1659 = arith.constant 0 : index
    %get3A_1660 = vector.load %arg2[%get3A_1657, %get3A_1658, %get3A_1659] : memref<100x128x128xbf16, #tpu.memory_space<vmem>>, vector<1x128x128xbf16>
    %get3A_1661 = vector.shape_cast %get3A_1660 : vector<1x128x128xbf16> to vector<128x128xbf16>
    %dot_general3A_1662 = arith.constant dense<0.000000e+00> : vector<128x128xf32>
    %dot_general3A_1663 = tpu.matmul %convert_element_type3A_1656, %get3A_1661, %dot_general3A_1662 {dimension_numbers = #tpu.dot_dimension_numbers<[1], [0], [0], [1], [0, 0, 1, 1], [], []>, transpose_lhs_hint = false} : vector<128x128xbf16>, vector<128x128xbf16>, vector<128x128xf32> -> vector<128x128xf32>
    %get3A_1664 = arith.constant 79 : index
    %get3A_1665 = arith.constant 0 : index
    %get3A_1666 = vector.load %arg3[%get3A_1664, %get3A_1665] : memref<100x128xf32, #tpu.memory_space<vmem>>, vector<1x128xf32>
    %get3A_1667 = vector.shape_cast %get3A_1666 : vector<1x128xf32> to vector<128xf32>
    %broadcast_in_dim3A_1668 = vector.shape_cast %get3A_1667 : vector<128xf32> to vector<1x128xf32>
    %add3A_1669 = vector.broadcast %broadcast_in_dim3A_1668 : vector<1x128xf32> to vector<128x128xf32>
    %add3A_1670 = arith.addf %dot_general3A_1663, %add3A_1669 : vector<128x128xf32>
    %swap3A_1671 = arith.constant 0 : index
    %swap3A_1672 = arith.constant 10112 : index
    %swap3A_1673 = vector.load %arg4[%swap3A_1671, %swap3A_1672] : memref<128x12800xf32, #tpu.memory_space<vmem>>, vector<128x128xf32>
    tpu.vector_store %arg4[%swap3A_1671, %swap3A_1672], %add3A_1670 {strides = array<i32>} : memref<128x12800xf32, #tpu.memory_space<vmem>>, vector<128x128xf32>,
    %get3A_1674 = arith.constant 0 : index
    %get3A_1675 = arith.constant 10240 : index
    %get3A_1676 = vector.load %arg1[%get3A_1674, %get3A_1675] : memref<128x12800xf32, #tpu.memory_space<vmem>>, vector<128x128xf32>
    %convert_element_type3A_1677 = arith.truncf %get3A_1676 : vector<128x128xf32> to vector<128x128xbf16>
    %get3A_1678 = arith.constant 80 : index
    %get3A_1679 = arith.constant 0 : index
    %get3A_1680 = arith.constant 0 : index
    %get3A_1681 = vector.load %arg2[%get3A_1678, %get3A_1679, %get3A_1680] : memref<100x128x128xbf16, #tpu.memory_space<vmem>>, vector<1x128x128xbf16>
    %get3A_1682 = vector.shape_cast %get3A_1681 : vector<1x128x128xbf16> to vector<128x128xbf16>
    %dot_general3A_1683 = arith.constant dense<0.000000e+00> : vector<128x128xf32>
    %dot_general3A_1684 = tpu.matmul %convert_element_type3A_1677, %get3A_1682, %dot_general3A_1683 {dimension_numbers = #tpu.dot_dimension_numbers<[1], [0], [0], [1], [0, 0, 1, 1], [], []>, transpose_lhs_hint = false} : vector<128x128xbf16>, vector<128x128xbf16>, vector<128x128xf32> -> vector<128x128xf32>
    %get3A_1685 = arith.constant 80 : index
    %get3A_1686 = arith.constant 0 : index
    %get3A_1687 = vector.load %arg3[%get3A_1685, %get3A_1686] : memref<100x128xf32, #tpu.memory_space<vmem>>, vector<1x128xf32>
    %get3A_1688 = vector.shape_cast %get3A_1687 : vector<1x128xf32> to vector<128xf32>
    %broadcast_in_dim3A_1689 = vector.shape_cast %get3A_1688 : vector<128xf32> to vector<1x128xf32>
    %add3A_1690 = vector.broadcast %broadcast_in_dim3A_1689 : vector<1x128xf32> to vector<128x128xf32>
    %add3A_1691 = arith.addf %dot_general3A_1684, %add3A_1690 : vector<128x128xf32>
    %swap3A_1692 = arith.constant 0 : index
    %swap3A_1693 = arith.constant 10240 : index
    %swap3A_1694 = vector.load %arg4[%swap3A_1692, %swap3A_1693] : memref<128x12800xf32, #tpu.memory_space<vmem>>, vector<128x128xf32>
    tpu.vector_store %arg4[%swap3A_1692, %swap3A_1693], %add3A_1691 {strides = array<i32>} : memref<128x12800xf32, #tpu.memory_space<vmem>>, vector<128x128xf32>,
    %get3A_1695 = arith.constant 0 : index
    %get3A_1696 = arith.constant 10368 : index
    %get3A_1697 = vector.load %arg1[%get3A_1695, %get3A_1696] : memref<128x12800xf32, #tpu.memory_space<vmem>>, vector<128x128xf32>
    %convert_element_type3A_1698 = arith.truncf %get3A_1697 : vector<128x128xf32> to vector<128x128xbf16>
    %get3A_1699 = arith.constant 81 : index
    %get3A_1700 = arith.constant 0 : index
    %get3A_1701 = arith.constant 0 : index
    %get3A_1702 = vector.load %arg2[%get3A_1699, %get3A_1700, %get3A_1701] : memref<100x128x128xbf16, #tpu.memory_space<vmem>>, vector<1x128x128xbf16>
    %get3A_1703 = vector.shape_cast %get3A_1702 : vector<1x128x128xbf16> to vector<128x128xbf16>
    %dot_general3A_1704 = arith.constant dense<0.000000e+00> : vector<128x128xf32>
    %dot_general3A_1705 = tpu.matmul %convert_element_type3A_1698, %get3A_1703, %dot_general3A_1704 {dimension_numbers = #tpu.dot_dimension_numbers<[1], [0], [0], [1], [0, 0, 1, 1], [], []>, transpose_lhs_hint = false} : vector<128x128xbf16>, vector<128x128xbf16>, vector<128x128xf32> -> vector<128x128xf32>
    %get3A_1706 = arith.constant 81 : index
    %get3A_1707 = arith.constant 0 : index
    %get3A_1708 = vector.load %arg3[%get3A_1706, %get3A_1707] : memref<100x128xf32, #tpu.memory_space<vmem>>, vector<1x128xf32>
    %get3A_1709 = vector.shape_cast %get3A_1708 : vector<1x128xf32> to vector<128xf32>
    %broadcast_in_dim3A_1710 = vector.shape_cast %get3A_1709 : vector<128xf32> to vector<1x128xf32>
    %add3A_1711 = vector.broadcast %broadcast_in_dim3A_1710 : vector<1x128xf32> to vector<128x128xf32>
    %add3A_1712 = arith.addf %dot_general3A_1705, %add3A_1711 : vector<128x128xf32>
    %swap3A_1713 = arith.constant 0 : index
    %swap3A_1714 = arith.constant 10368 : index
    %swap3A_1715 = vector.load %arg4[%swap3A_1713, %swap3A_1714] : memref<128x12800xf32, #tpu.memory_space<vmem>>, vector<128x128xf32>
    tpu.vector_store %arg4[%swap3A_1713, %swap3A_1714], %add3A_1712 {strides = array<i32>} : memref<128x12800xf32, #tpu.memory_space<vmem>>, vector<128x128xf32>,
    %get3A_1716 = arith.constant 0 : index
    %get3A_1717 = arith.constant 10496 : index
    %get3A_1718 = vector.load %arg1[%get3A_1716, %get3A_1717] : memref<128x12800xf32, #tpu.memory_space<vmem>>, vector<128x128xf32>
    %convert_element_type3A_1719 = arith.truncf %get3A_1718 : vector<128x128xf32> to vector<128x128xbf16>
    %get3A_1720 = arith.constant 82 : index
    %get3A_1721 = arith.constant 0 : index
    %get3A_1722 = arith.constant 0 : index
    %get3A_1723 = vector.load %arg2[%get3A_1720, %get3A_1721, %get3A_1722] : memref<100x128x128xbf16, #tpu.memory_space<vmem>>, vector<1x128x128xbf16>
    %get3A_1724 = vector.shape_cast %get3A_1723 : vector<1x128x128xbf16> to vector<128x128xbf16>
    %dot_general3A_1725 = arith.constant dense<0.000000e+00> : vector<128x128xf32>
    %dot_general3A_1726 = tpu.matmul %convert_element_type3A_1719, %get3A_1724, %dot_general3A_1725 {dimension_numbers = #tpu.dot_dimension_numbers<[1], [0], [0], [1], [0, 0, 1, 1], [], []>, transpose_lhs_hint = false} : vector<128x128xbf16>, vector<128x128xbf16>, vector<128x128xf32> -> vector<128x128xf32>
    %get3A_1727 = arith.constant 82 : index
    %get3A_1728 = arith.constant 0 : index
    %get3A_1729 = vector.load %arg3[%get3A_1727, %get3A_1728] : memref<100x128xf32, #tpu.memory_space<vmem>>, vector<1x128xf32>
    %get3A_1730 = vector.shape_cast %get3A_1729 : vector<1x128xf32> to vector<128xf32>
    %broadcast_in_dim3A_1731 = vector.shape_cast %get3A_1730 : vector<128xf32> to vector<1x128xf32>
    %add3A_1732 = vector.broadcast %broadcast_in_dim3A_1731 : vector<1x128xf32> to vector<128x128xf32>
    %add3A_1733 = arith.addf %dot_general3A_1726, %add3A_1732 : vector<128x128xf32>
    %swap3A_1734 = arith.constant 0 : index
    %swap3A_1735 = arith.constant 10496 : index
    %swap3A_1736 = vector.load %arg4[%swap3A_1734, %swap3A_1735] : memref<128x12800xf32, #tpu.memory_space<vmem>>, vector<128x128xf32>
    tpu.vector_store %arg4[%swap3A_1734, %swap3A_1735], %add3A_1733 {strides = array<i32>} : memref<128x12800xf32, #tpu.memory_space<vmem>>, vector<128x128xf32>,
    %get3A_1737 = arith.constant 0 : index
    %get3A_1738 = arith.constant 10624 : index
    %get3A_1739 = vector.load %arg1[%get3A_1737, %get3A_1738] : memref<128x12800xf32, #tpu.memory_space<vmem>>, vector<128x128xf32>
    %convert_element_type3A_1740 = arith.truncf %get3A_1739 : vector<128x128xf32> to vector<128x128xbf16>
    %get3A_1741 = arith.constant 83 : index
    %get3A_1742 = arith.constant 0 : index
    %get3A_1743 = arith.constant 0 : index
    %get3A_1744 = vector.load %arg2[%get3A_1741, %get3A_1742, %get3A_1743] : memref<100x128x128xbf16, #tpu.memory_space<vmem>>, vector<1x128x128xbf16>
    %get3A_1745 = vector.shape_cast %get3A_1744 : vector<1x128x128xbf16> to vector<128x128xbf16>
    %dot_general3A_1746 = arith.constant dense<0.000000e+00> : vector<128x128xf32>
    %dot_general3A_1747 = tpu.matmul %convert_element_type3A_1740, %get3A_1745, %dot_general3A_1746 {dimension_numbers = #tpu.dot_dimension_numbers<[1], [0], [0], [1], [0, 0, 1, 1], [], []>, transpose_lhs_hint = false} : vector<128x128xbf16>, vector<128x128xbf16>, vector<128x128xf32> -> vector<128x128xf32>
    %get3A_1748 = arith.constant 83 : index
    %get3A_1749 = arith.constant 0 : index
    %get3A_1750 = vector.load %arg3[%get3A_1748, %get3A_1749] : memref<100x128xf32, #tpu.memory_space<vmem>>, vector<1x128xf32>
    %get3A_1751 = vector.shape_cast %get3A_1750 : vector<1x128xf32> to vector<128xf32>
    %broadcast_in_dim3A_1752 = vector.shape_cast %get3A_1751 : vector<128xf32> to vector<1x128xf32>
    %add3A_1753 = vector.broadcast %broadcast_in_dim3A_1752 : vector<1x128xf32> to vector<128x128xf32>
    %add3A_1754 = arith.addf %dot_general3A_1747, %add3A_1753 : vector<128x128xf32>
    %swap3A_1755 = arith.constant 0 : index
    %swap3A_1756 = arith.constant 10624 : index
    %swap3A_1757 = vector.load %arg4[%swap3A_1755, %swap3A_1756] : memref<128x12800xf32, #tpu.memory_space<vmem>>, vector<128x128xf32>
    tpu.vector_store %arg4[%swap3A_1755, %swap3A_1756], %add3A_1754 {strides = array<i32>} : memref<128x12800xf32, #tpu.memory_space<vmem>>, vector<128x128xf32>,
    %get3A_1758 = arith.constant 0 : index
    %get3A_1759 = arith.constant 10752 : index
    %get3A_1760 = vector.load %arg1[%get3A_1758, %get3A_1759] : memref<128x12800xf32, #tpu.memory_space<vmem>>, vector<128x128xf32>
    %convert_element_type3A_1761 = arith.truncf %get3A_1760 : vector<128x128xf32> to vector<128x128xbf16>
    %get3A_1762 = arith.constant 84 : index
    %get3A_1763 = arith.constant 0 : index
    %get3A_1764 = arith.constant 0 : index
    %get3A_1765 = vector.load %arg2[%get3A_1762, %get3A_1763, %get3A_1764] : memref<100x128x128xbf16, #tpu.memory_space<vmem>>, vector<1x128x128xbf16>
    %get3A_1766 = vector.shape_cast %get3A_1765 : vector<1x128x128xbf16> to vector<128x128xbf16>
    %dot_general3A_1767 = arith.constant dense<0.000000e+00> : vector<128x128xf32>
    %dot_general3A_1768 = tpu.matmul %convert_element_type3A_1761, %get3A_1766, %dot_general3A_1767 {dimension_numbers = #tpu.dot_dimension_numbers<[1], [0], [0], [1], [0, 0, 1, 1], [], []>, transpose_lhs_hint = false} : vector<128x128xbf16>, vector<128x128xbf16>, vector<128x128xf32> -> vector<128x128xf32>
    %get3A_1769 = arith.constant 84 : index
    %get3A_1770 = arith.constant 0 : index
    %get3A_1771 = vector.load %arg3[%get3A_1769, %get3A_1770] : memref<100x128xf32, #tpu.memory_space<vmem>>, vector<1x128xf32>
    %get3A_1772 = vector.shape_cast %get3A_1771 : vector<1x128xf32> to vector<128xf32>
    %broadcast_in_dim3A_1773 = vector.shape_cast %get3A_1772 : vector<128xf32> to vector<1x128xf32>
    %add3A_1774 = vector.broadcast %broadcast_in_dim3A_1773 : vector<1x128xf32> to vector<128x128xf32>
    %add3A_1775 = arith.addf %dot_general3A_1768, %add3A_1774 : vector<128x128xf32>
    %swap3A_1776 = arith.constant 0 : index
    %swap3A_1777 = arith.constant 10752 : index
    %swap3A_1778 = vector.load %arg4[%swap3A_1776, %swap3A_1777] : memref<128x12800xf32, #tpu.memory_space<vmem>>, vector<128x128xf32>
    tpu.vector_store %arg4[%swap3A_1776, %swap3A_1777], %add3A_1775 {strides = array<i32>} : memref<128x12800xf32, #tpu.memory_space<vmem>>, vector<128x128xf32>,
    %get3A_1779 = arith.constant 0 : index
    %get3A_1780 = arith.constant 10880 : index
    %get3A_1781 = vector.load %arg1[%get3A_1779, %get3A_1780] : memref<128x12800xf32, #tpu.memory_space<vmem>>, vector<128x128xf32>
    %convert_element_type3A_1782 = arith.truncf %get3A_1781 : vector<128x128xf32> to vector<128x128xbf16>
    %get3A_1783 = arith.constant 85 : index
    %get3A_1784 = arith.constant 0 : index
    %get3A_1785 = arith.constant 0 : index
    %get3A_1786 = vector.load %arg2[%get3A_1783, %get3A_1784, %get3A_1785] : memref<100x128x128xbf16, #tpu.memory_space<vmem>>, vector<1x128x128xbf16>
    %get3A_1787 = vector.shape_cast %get3A_1786 : vector<1x128x128xbf16> to vector<128x128xbf16>
    %dot_general3A_1788 = arith.constant dense<0.000000e+00> : vector<128x128xf32>
    %dot_general3A_1789 = tpu.matmul %convert_element_type3A_1782, %get3A_1787, %dot_general3A_1788 {dimension_numbers = #tpu.dot_dimension_numbers<[1], [0], [0], [1], [0, 0, 1, 1], [], []>, transpose_lhs_hint = false} : vector<128x128xbf16>, vector<128x128xbf16>, vector<128x128xf32> -> vector<128x128xf32>
    %get3A_1790 = arith.constant 85 : index
    %get3A_1791 = arith.constant 0 : index
    %get3A_1792 = vector.load %arg3[%get3A_1790, %get3A_1791] : memref<100x128xf32, #tpu.memory_space<vmem>>, vector<1x128xf32>
    %get3A_1793 = vector.shape_cast %get3A_1792 : vector<1x128xf32> to vector<128xf32>
    %broadcast_in_dim3A_1794 = vector.shape_cast %get3A_1793 : vector<128xf32> to vector<1x128xf32>
    %add3A_1795 = vector.broadcast %broadcast_in_dim3A_1794 : vector<1x128xf32> to vector<128x128xf32>
    %add3A_1796 = arith.addf %dot_general3A_1789, %add3A_1795 : vector<128x128xf32>
    %swap3A_1797 = arith.constant 0 : index
    %swap3A_1798 = arith.constant 10880 : index
    %swap3A_1799 = vector.load %arg4[%swap3A_1797, %swap3A_1798] : memref<128x12800xf32, #tpu.memory_space<vmem>>, vector<128x128xf32>
    tpu.vector_store %arg4[%swap3A_1797, %swap3A_1798], %add3A_1796 {strides = array<i32>} : memref<128x12800xf32, #tpu.memory_space<vmem>>, vector<128x128xf32>,
    %get3A_1800 = arith.constant 0 : index
    %get3A_1801 = arith.constant 11008 : index
    %get3A_1802 = vector.load %arg1[%get3A_1800, %get3A_1801] : memref<128x12800xf32, #tpu.memory_space<vmem>>, vector<128x128xf32>
    %convert_element_type3A_1803 = arith.truncf %get3A_1802 : vector<128x128xf32> to vector<128x128xbf16>
    %get3A_1804 = arith.constant 86 : index
    %get3A_1805 = arith.constant 0 : index
    %get3A_1806 = arith.constant 0 : index
    %get3A_1807 = vector.load %arg2[%get3A_1804, %get3A_1805, %get3A_1806] : memref<100x128x128xbf16, #tpu.memory_space<vmem>>, vector<1x128x128xbf16>
    %get3A_1808 = vector.shape_cast %get3A_1807 : vector<1x128x128xbf16> to vector<128x128xbf16>
    %dot_general3A_1809 = arith.constant dense<0.000000e+00> : vector<128x128xf32>
    %dot_general3A_1810 = tpu.matmul %convert_element_type3A_1803, %get3A_1808, %dot_general3A_1809 {dimension_numbers = #tpu.dot_dimension_numbers<[1], [0], [0], [1], [0, 0, 1, 1], [], []>, transpose_lhs_hint = false} : vector<128x128xbf16>, vector<128x128xbf16>, vector<128x128xf32> -> vector<128x128xf32>
    %get3A_1811 = arith.constant 86 : index
    %get3A_1812 = arith.constant 0 : index
    %get3A_1813 = vector.load %arg3[%get3A_1811, %get3A_1812] : memref<100x128xf32, #tpu.memory_space<vmem>>, vector<1x128xf32>
    %get3A_1814 = vector.shape_cast %get3A_1813 : vector<1x128xf32> to vector<128xf32>
    %broadcast_in_dim3A_1815 = vector.shape_cast %get3A_1814 : vector<128xf32> to vector<1x128xf32>
    %add3A_1816 = vector.broadcast %broadcast_in_dim3A_1815 : vector<1x128xf32> to vector<128x128xf32>
    %add3A_1817 = arith.addf %dot_general3A_1810, %add3A_1816 : vector<128x128xf32>
    %swap3A_1818 = arith.constant 0 : index
    %swap3A_1819 = arith.constant 11008 : index
    %swap3A_1820 = vector.load %arg4[%swap3A_1818, %swap3A_1819] : memref<128x12800xf32, #tpu.memory_space<vmem>>, vector<128x128xf32>
    tpu.vector_store %arg4[%swap3A_1818, %swap3A_1819], %add3A_1817 {strides = array<i32>} : memref<128x12800xf32, #tpu.memory_space<vmem>>, vector<128x128xf32>,
    %get3A_1821 = arith.constant 0 : index
    %get3A_1822 = arith.constant 11136 : index
    %get3A_1823 = vector.load %arg1[%get3A_1821, %get3A_1822] : memref<128x12800xf32, #tpu.memory_space<vmem>>, vector<128x128xf32>
    %convert_element_type3A_1824 = arith.truncf %get3A_1823 : vector<128x128xf32> to vector<128x128xbf16>
    %get3A_1825 = arith.constant 87 : index
    %get3A_1826 = arith.constant 0 : index
    %get3A_1827 = arith.constant 0 : index
    %get3A_1828 = vector.load %arg2[%get3A_1825, %get3A_1826, %get3A_1827] : memref<100x128x128xbf16, #tpu.memory_space<vmem>>, vector<1x128x128xbf16>
    %get3A_1829 = vector.shape_cast %get3A_1828 : vector<1x128x128xbf16> to vector<128x128xbf16>
    %dot_general3A_1830 = arith.constant dense<0.000000e+00> : vector<128x128xf32>
    %dot_general3A_1831 = tpu.matmul %convert_element_type3A_1824, %get3A_1829, %dot_general3A_1830 {dimension_numbers = #tpu.dot_dimension_numbers<[1], [0], [0], [1], [0, 0, 1, 1], [], []>, transpose_lhs_hint = false} : vector<128x128xbf16>, vector<128x128xbf16>, vector<128x128xf32> -> vector<128x128xf32>
    %get3A_1832 = arith.constant 87 : index
    %get3A_1833 = arith.constant 0 : index
    %get3A_1834 = vector.load %arg3[%get3A_1832, %get3A_1833] : memref<100x128xf32, #tpu.memory_space<vmem>>, vector<1x128xf32>
    %get3A_1835 = vector.shape_cast %get3A_1834 : vector<1x128xf32> to vector<128xf32>
    %broadcast_in_dim3A_1836 = vector.shape_cast %get3A_1835 : vector<128xf32> to vector<1x128xf32>
    %add3A_1837 = vector.broadcast %broadcast_in_dim3A_1836 : vector<1x128xf32> to vector<128x128xf32>
    %add3A_1838 = arith.addf %dot_general3A_1831, %add3A_1837 : vector<128x128xf32>
    %swap3A_1839 = arith.constant 0 : index
    %swap3A_1840 = arith.constant 11136 : index
    %swap3A_1841 = vector.load %arg4[%swap3A_1839, %swap3A_1840] : memref<128x12800xf32, #tpu.memory_space<vmem>>, vector<128x128xf32>
    tpu.vector_store %arg4[%swap3A_1839, %swap3A_1840], %add3A_1838 {strides = array<i32>} : memref<128x12800xf32, #tpu.memory_space<vmem>>, vector<128x128xf32>,
    %get3A_1842 = arith.constant 0 : index
    %get3A_1843 = arith.constant 11264 : index
    %get3A_1844 = vector.load %arg1[%get3A_1842, %get3A_1843] : memref<128x12800xf32, #tpu.memory_space<vmem>>, vector<128x128xf32>
    %convert_element_type3A_1845 = arith.truncf %get3A_1844 : vector<128x128xf32> to vector<128x128xbf16>
    %get3A_1846 = arith.constant 88 : index
    %get3A_1847 = arith.constant 0 : index
    %get3A_1848 = arith.constant 0 : index
    %get3A_1849 = vector.load %arg2[%get3A_1846, %get3A_1847, %get3A_1848] : memref<100x128x128xbf16, #tpu.memory_space<vmem>>, vector<1x128x128xbf16>
    %get3A_1850 = vector.shape_cast %get3A_1849 : vector<1x128x128xbf16> to vector<128x128xbf16>
    %dot_general3A_1851 = arith.constant dense<0.000000e+00> : vector<128x128xf32>
    %dot_general3A_1852 = tpu.matmul %convert_element_type3A_1845, %get3A_1850, %dot_general3A_1851 {dimension_numbers = #tpu.dot_dimension_numbers<[1], [0], [0], [1], [0, 0, 1, 1], [], []>, transpose_lhs_hint = false} : vector<128x128xbf16>, vector<128x128xbf16>, vector<128x128xf32> -> vector<128x128xf32>
    %get3A_1853 = arith.constant 88 : index
    %get3A_1854 = arith.constant 0 : index
    %get3A_1855 = vector.load %arg3[%get3A_1853, %get3A_1854] : memref<100x128xf32, #tpu.memory_space<vmem>>, vector<1x128xf32>
    %get3A_1856 = vector.shape_cast %get3A_1855 : vector<1x128xf32> to vector<128xf32>
    %broadcast_in_dim3A_1857 = vector.shape_cast %get3A_1856 : vector<128xf32> to vector<1x128xf32>
    %add3A_1858 = vector.broadcast %broadcast_in_dim3A_1857 : vector<1x128xf32> to vector<128x128xf32>
    %add3A_1859 = arith.addf %dot_general3A_1852, %add3A_1858 : vector<128x128xf32>
    %swap3A_1860 = arith.constant 0 : index
    %swap3A_1861 = arith.constant 11264 : index
    %swap3A_1862 = vector.load %arg4[%swap3A_1860, %swap3A_1861] : memref<128x12800xf32, #tpu.memory_space<vmem>>, vector<128x128xf32>
    tpu.vector_store %arg4[%swap3A_1860, %swap3A_1861], %add3A_1859 {strides = array<i32>} : memref<128x12800xf32, #tpu.memory_space<vmem>>, vector<128x128xf32>,
    %get3A_1863 = arith.constant 0 : index
    %get3A_1864 = arith.constant 11392 : index
    %get3A_1865 = vector.load %arg1[%get3A_1863, %get3A_1864] : memref<128x12800xf32, #tpu.memory_space<vmem>>, vector<128x128xf32>
    %convert_element_type3A_1866 = arith.truncf %get3A_1865 : vector<128x128xf32> to vector<128x128xbf16>
    %get3A_1867 = arith.constant 89 : index
    %get3A_1868 = arith.constant 0 : index
    %get3A_1869 = arith.constant 0 : index
    %get3A_1870 = vector.load %arg2[%get3A_1867, %get3A_1868, %get3A_1869] : memref<100x128x128xbf16, #tpu.memory_space<vmem>>, vector<1x128x128xbf16>
    %get3A_1871 = vector.shape_cast %get3A_1870 : vector<1x128x128xbf16> to vector<128x128xbf16>
    %dot_general3A_1872 = arith.constant dense<0.000000e+00> : vector<128x128xf32>
    %dot_general3A_1873 = tpu.matmul %convert_element_type3A_1866, %get3A_1871, %dot_general3A_1872 {dimension_numbers = #tpu.dot_dimension_numbers<[1], [0], [0], [1], [0, 0, 1, 1], [], []>, transpose_lhs_hint = false} : vector<128x128xbf16>, vector<128x128xbf16>, vector<128x128xf32> -> vector<128x128xf32>
    %get3A_1874 = arith.constant 89 : index
    %get3A_1875 = arith.constant 0 : index
    %get3A_1876 = vector.load %arg3[%get3A_1874, %get3A_1875] : memref<100x128xf32, #tpu.memory_space<vmem>>, vector<1x128xf32>
    %get3A_1877 = vector.shape_cast %get3A_1876 : vector<1x128xf32> to vector<128xf32>
    %broadcast_in_dim3A_1878 = vector.shape_cast %get3A_1877 : vector<128xf32> to vector<1x128xf32>
    %add3A_1879 = vector.broadcast %broadcast_in_dim3A_1878 : vector<1x128xf32> to vector<128x128xf32>
    %add3A_1880 = arith.addf %dot_general3A_1873, %add3A_1879 : vector<128x128xf32>
    %swap3A_1881 = arith.constant 0 : index
    %swap3A_1882 = arith.constant 11392 : index
    %swap3A_1883 = vector.load %arg4[%swap3A_1881, %swap3A_1882] : memref<128x12800xf32, #tpu.memory_space<vmem>>, vector<128x128xf32>
    tpu.vector_store %arg4[%swap3A_1881, %swap3A_1882], %add3A_1880 {strides = array<i32>} : memref<128x12800xf32, #tpu.memory_space<vmem>>, vector<128x128xf32>,
    %get3A_1884 = arith.constant 0 : index
    %get3A_1885 = arith.constant 11520 : index
    %get3A_1886 = vector.load %arg1[%get3A_1884, %get3A_1885] : memref<128x12800xf32, #tpu.memory_space<vmem>>, vector<128x128xf32>
    %convert_element_type3A_1887 = arith.truncf %get3A_1886 : vector<128x128xf32> to vector<128x128xbf16>
    %get3A_1888 = arith.constant 90 : index
    %get3A_1889 = arith.constant 0 : index
    %get3A_1890 = arith.constant 0 : index
    %get3A_1891 = vector.load %arg2[%get3A_1888, %get3A_1889, %get3A_1890] : memref<100x128x128xbf16, #tpu.memory_space<vmem>>, vector<1x128x128xbf16>
    %get3A_1892 = vector.shape_cast %get3A_1891 : vector<1x128x128xbf16> to vector<128x128xbf16>
    %dot_general3A_1893 = arith.constant dense<0.000000e+00> : vector<128x128xf32>
    %dot_general3A_1894 = tpu.matmul %convert_element_type3A_1887, %get3A_1892, %dot_general3A_1893 {dimension_numbers = #tpu.dot_dimension_numbers<[1], [0], [0], [1], [0, 0, 1, 1], [], []>, transpose_lhs_hint = false} : vector<128x128xbf16>, vector<128x128xbf16>, vector<128x128xf32> -> vector<128x128xf32>
    %get3A_1895 = arith.constant 90 : index
    %get3A_1896 = arith.constant 0 : index
    %get3A_1897 = vector.load %arg3[%get3A_1895, %get3A_1896] : memref<100x128xf32, #tpu.memory_space<vmem>>, vector<1x128xf32>
    %get3A_1898 = vector.shape_cast %get3A_1897 : vector<1x128xf32> to vector<128xf32>
    %broadcast_in_dim3A_1899 = vector.shape_cast %get3A_1898 : vector<128xf32> to vector<1x128xf32>
    %add3A_1900 = vector.broadcast %broadcast_in_dim3A_1899 : vector<1x128xf32> to vector<128x128xf32>
    %add3A_1901 = arith.addf %dot_general3A_1894, %add3A_1900 : vector<128x128xf32>
    %swap3A_1902 = arith.constant 0 : index
    %swap3A_1903 = arith.constant 11520 : index
    %swap3A_1904 = vector.load %arg4[%swap3A_1902, %swap3A_1903] : memref<128x12800xf32, #tpu.memory_space<vmem>>, vector<128x128xf32>
    tpu.vector_store %arg4[%swap3A_1902, %swap3A_1903], %add3A_1901 {strides = array<i32>} : memref<128x12800xf32, #tpu.memory_space<vmem>>, vector<128x128xf32>,
    %get3A_1905 = arith.constant 0 : index
    %get3A_1906 = arith.constant 11648 : index
    %get3A_1907 = vector.load %arg1[%get3A_1905, %get3A_1906] : memref<128x12800xf32, #tpu.memory_space<vmem>>, vector<128x128xf32>
    %convert_element_type3A_1908 = arith.truncf %get3A_1907 : vector<128x128xf32> to vector<128x128xbf16>
    %get3A_1909 = arith.constant 91 : index
    %get3A_1910 = arith.constant 0 : index
    %get3A_1911 = arith.constant 0 : index
    %get3A_1912 = vector.load %arg2[%get3A_1909, %get3A_1910, %get3A_1911] : memref<100x128x128xbf16, #tpu.memory_space<vmem>>, vector<1x128x128xbf16>
    %get3A_1913 = vector.shape_cast %get3A_1912 : vector<1x128x128xbf16> to vector<128x128xbf16>
    %dot_general3A_1914 = arith.constant dense<0.000000e+00> : vector<128x128xf32>
    %dot_general3A_1915 = tpu.matmul %convert_element_type3A_1908, %get3A_1913, %dot_general3A_1914 {dimension_numbers = #tpu.dot_dimension_numbers<[1], [0], [0], [1], [0, 0, 1, 1], [], []>, transpose_lhs_hint = false} : vector<128x128xbf16>, vector<128x128xbf16>, vector<128x128xf32> -> vector<128x128xf32>
    %get3A_1916 = arith.constant 91 : index
    %get3A_1917 = arith.constant 0 : index
    %get3A_1918 = vector.load %arg3[%get3A_1916, %get3A_1917] : memref<100x128xf32, #tpu.memory_space<vmem>>, vector<1x128xf32>
    %get3A_1919 = vector.shape_cast %get3A_1918 : vector<1x128xf32> to vector<128xf32>
    %broadcast_in_dim3A_1920 = vector.shape_cast %get3A_1919 : vector<128xf32> to vector<1x128xf32>
    %add3A_1921 = vector.broadcast %broadcast_in_dim3A_1920 : vector<1x128xf32> to vector<128x128xf32>
    %add3A_1922 = arith.addf %dot_general3A_1915, %add3A_1921 : vector<128x128xf32>
    %swap3A_1923 = arith.constant 0 : index
    %swap3A_1924 = arith.constant 11648 : index
    %swap3A_1925 = vector.load %arg4[%swap3A_1923, %swap3A_1924] : memref<128x12800xf32, #tpu.memory_space<vmem>>, vector<128x128xf32>
    tpu.vector_store %arg4[%swap3A_1923, %swap3A_1924], %add3A_1922 {strides = array<i32>} : memref<128x12800xf32, #tpu.memory_space<vmem>>, vector<128x128xf32>,
    %get3A_1926 = arith.constant 0 : index
    %get3A_1927 = arith.constant 11776 : index
    %get3A_1928 = vector.load %arg1[%get3A_1926, %get3A_1927] : memref<128x12800xf32, #tpu.memory_space<vmem>>, vector<128x128xf32>
    %convert_element_type3A_1929 = arith.truncf %get3A_1928 : vector<128x128xf32> to vector<128x128xbf16>
    %get3A_1930 = arith.constant 92 : index
    %get3A_1931 = arith.constant 0 : index
    %get3A_1932 = arith.constant 0 : index
    %get3A_1933 = vector.load %arg2[%get3A_1930, %get3A_1931, %get3A_1932] : memref<100x128x128xbf16, #tpu.memory_space<vmem>>, vector<1x128x128xbf16>
    %get3A_1934 = vector.shape_cast %get3A_1933 : vector<1x128x128xbf16> to vector<128x128xbf16>
    %dot_general3A_1935 = arith.constant dense<0.000000e+00> : vector<128x128xf32>
    %dot_general3A_1936 = tpu.matmul %convert_element_type3A_1929, %get3A_1934, %dot_general3A_1935 {dimension_numbers = #tpu.dot_dimension_numbers<[1], [0], [0], [1], [0, 0, 1, 1], [], []>, transpose_lhs_hint = false} : vector<128x128xbf16>, vector<128x128xbf16>, vector<128x128xf32> -> vector<128x128xf32>
    %get3A_1937 = arith.constant 92 : index
    %get3A_1938 = arith.constant 0 : index
    %get3A_1939 = vector.load %arg3[%get3A_1937, %get3A_1938] : memref<100x128xf32, #tpu.memory_space<vmem>>, vector<1x128xf32>
    %get3A_1940 = vector.shape_cast %get3A_1939 : vector<1x128xf32> to vector<128xf32>
    %broadcast_in_dim3A_1941 = vector.shape_cast %get3A_1940 : vector<128xf32> to vector<1x128xf32>
    %add3A_1942 = vector.broadcast %broadcast_in_dim3A_1941 : vector<1x128xf32> to vector<128x128xf32>
    %add3A_1943 = arith.addf %dot_general3A_1936, %add3A_1942 : vector<128x128xf32>
    %swap3A_1944 = arith.constant 0 : index
    %swap3A_1945 = arith.constant 11776 : index
    %swap3A_1946 = vector.load %arg4[%swap3A_1944, %swap3A_1945] : memref<128x12800xf32, #tpu.memory_space<vmem>>, vector<128x128xf32>
    tpu.vector_store %arg4[%swap3A_1944, %swap3A_1945], %add3A_1943 {strides = array<i32>} : memref<128x12800xf32, #tpu.memory_space<vmem>>, vector<128x128xf32>,
    %get3A_1947 = arith.constant 0 : index
    %get3A_1948 = arith.constant 11904 : index
    %get3A_1949 = vector.load %arg1[%get3A_1947, %get3A_1948] : memref<128x12800xf32, #tpu.memory_space<vmem>>, vector<128x128xf32>
    %convert_element_type3A_1950 = arith.truncf %get3A_1949 : vector<128x128xf32> to vector<128x128xbf16>
    %get3A_1951 = arith.constant 93 : index
    %get3A_1952 = arith.constant 0 : index
    %get3A_1953 = arith.constant 0 : index
    %get3A_1954 = vector.load %arg2[%get3A_1951, %get3A_1952, %get3A_1953] : memref<100x128x128xbf16, #tpu.memory_space<vmem>>, vector<1x128x128xbf16>
    %get3A_1955 = vector.shape_cast %get3A_1954 : vector<1x128x128xbf16> to vector<128x128xbf16>
    %dot_general3A_1956 = arith.constant dense<0.000000e+00> : vector<128x128xf32>
    %dot_general3A_1957 = tpu.matmul %convert_element_type3A_1950, %get3A_1955, %dot_general3A_1956 {dimension_numbers = #tpu.dot_dimension_numbers<[1], [0], [0], [1], [0, 0, 1, 1], [], []>, transpose_lhs_hint = false} : vector<128x128xbf16>, vector<128x128xbf16>, vector<128x128xf32> -> vector<128x128xf32>
    %get3A_1958 = arith.constant 93 : index
    %get3A_1959 = arith.constant 0 : index
    %get3A_1960 = vector.load %arg3[%get3A_1958, %get3A_1959] : memref<100x128xf32, #tpu.memory_space<vmem>>, vector<1x128xf32>
    %get3A_1961 = vector.shape_cast %get3A_1960 : vector<1x128xf32> to vector<128xf32>
    %broadcast_in_dim3A_1962 = vector.shape_cast %get3A_1961 : vector<128xf32> to vector<1x128xf32>
    %add3A_1963 = vector.broadcast %broadcast_in_dim3A_1962 : vector<1x128xf32> to vector<128x128xf32>
    %add3A_1964 = arith.addf %dot_general3A_1957, %add3A_1963 : vector<128x128xf32>
    %swap3A_1965 = arith.constant 0 : index
    %swap3A_1966 = arith.constant 11904 : index
    %swap3A_1967 = vector.load %arg4[%swap3A_1965, %swap3A_1966] : memref<128x12800xf32, #tpu.memory_space<vmem>>, vector<128x128xf32>
    tpu.vector_store %arg4[%swap3A_1965, %swap3A_1966], %add3A_1964 {strides = array<i32>} : memref<128x12800xf32, #tpu.memory_space<vmem>>, vector<128x128xf32>,
    %get3A_1968 = arith.constant 0 : index
    %get3A_1969 = arith.constant 12032 : index
    %get3A_1970 = vector.load %arg1[%get3A_1968, %get3A_1969] : memref<128x12800xf32, #tpu.memory_space<vmem>>, vector<128x128xf32>
    %convert_element_type3A_1971 = arith.truncf %get3A_1970 : vector<128x128xf32> to vector<128x128xbf16>
    %get3A_1972 = arith.constant 94 : index
    %get3A_1973 = arith.constant 0 : index
    %get3A_1974 = arith.constant 0 : index
    %get3A_1975 = vector.load %arg2[%get3A_1972, %get3A_1973, %get3A_1974] : memref<100x128x128xbf16, #tpu.memory_space<vmem>>, vector<1x128x128xbf16>
    %get3A_1976 = vector.shape_cast %get3A_1975 : vector<1x128x128xbf16> to vector<128x128xbf16>
    %dot_general3A_1977 = arith.constant dense<0.000000e+00> : vector<128x128xf32>
    %dot_general3A_1978 = tpu.matmul %convert_element_type3A_1971, %get3A_1976, %dot_general3A_1977 {dimension_numbers = #tpu.dot_dimension_numbers<[1], [0], [0], [1], [0, 0, 1, 1], [], []>, transpose_lhs_hint = false} : vector<128x128xbf16>, vector<128x128xbf16>, vector<128x128xf32> -> vector<128x128xf32>
    %get3A_1979 = arith.constant 94 : index
    %get3A_1980 = arith.constant 0 : index
    %get3A_1981 = vector.load %arg3[%get3A_1979, %get3A_1980] : memref<100x128xf32, #tpu.memory_space<vmem>>, vector<1x128xf32>
    %get3A_1982 = vector.shape_cast %get3A_1981 : vector<1x128xf32> to vector<128xf32>
    %broadcast_in_dim3A_1983 = vector.shape_cast %get3A_1982 : vector<128xf32> to vector<1x128xf32>
    %add3A_1984 = vector.broadcast %broadcast_in_dim3A_1983 : vector<1x128xf32> to vector<128x128xf32>
    %add3A_1985 = arith.addf %dot_general3A_1978, %add3A_1984 : vector<128x128xf32>
    %swap3A_1986 = arith.constant 0 : index
    %swap3A_1987 = arith.constant 12032 : index
    %swap3A_1988 = vector.load %arg4[%swap3A_1986, %swap3A_1987] : memref<128x12800xf32, #tpu.memory_space<vmem>>, vector<128x128xf32>
    tpu.vector_store %arg4[%swap3A_1986, %swap3A_1987], %add3A_1985 {strides = array<i32>} : memref<128x12800xf32, #tpu.memory_space<vmem>>, vector<128x128xf32>,
    %get3A_1989 = arith.constant 0 : index
    %get3A_1990 = arith.constant 12160 : index
    %get3A_1991 = vector.load %arg1[%get3A_1989, %get3A_1990] : memref<128x12800xf32, #tpu.memory_space<vmem>>, vector<128x128xf32>
    %convert_element_type3A_1992 = arith.truncf %get3A_1991 : vector<128x128xf32> to vector<128x128xbf16>
    %get3A_1993 = arith.constant 95 : index
    %get3A_1994 = arith.constant 0 : index
    %get3A_1995 = arith.constant 0 : index
    %get3A_1996 = vector.load %arg2[%get3A_1993, %get3A_1994, %get3A_1995] : memref<100x128x128xbf16, #tpu.memory_space<vmem>>, vector<1x128x128xbf16>
    %get3A_1997 = vector.shape_cast %get3A_1996 : vector<1x128x128xbf16> to vector<128x128xbf16>
    %dot_general3A_1998 = arith.constant dense<0.000000e+00> : vector<128x128xf32>
    %dot_general3A_1999 = tpu.matmul %convert_element_type3A_1992, %get3A_1997, %dot_general3A_1998 {dimension_numbers = #tpu.dot_dimension_numbers<[1], [0], [0], [1], [0, 0, 1, 1], [], []>, transpose_lhs_hint = false} : vector<128x128xbf16>, vector<128x128xbf16>, vector<128x128xf32> -> vector<128x128xf32>
    %get3A_2000 = arith.constant 95 : index
    %get3A_2001 = arith.constant 0 : index
    %get3A_2002 = vector.load %arg3[%get3A_2000, %get3A_2001] : memref<100x128xf32, #tpu.memory_space<vmem>>, vector<1x128xf32>
    %get3A_2003 = vector.shape_cast %get3A_2002 : vector<1x128xf32> to vector<128xf32>
    %broadcast_in_dim3A_2004 = vector.shape_cast %get3A_2003 : vector<128xf32> to vector<1x128xf32>
    %add3A_2005 = vector.broadcast %broadcast_in_dim3A_2004 : vector<1x128xf32> to vector<128x128xf32>
    %add3A_2006 = arith.addf %dot_general3A_1999, %add3A_2005 : vector<128x128xf32>
    %swap3A_2007 = arith.constant 0 : index
    %swap3A_2008 = arith.constant 12160 : index
    %swap3A_2009 = vector.load %arg4[%swap3A_2007, %swap3A_2008] : memref<128x12800xf32, #tpu.memory_space<vmem>>, vector<128x128xf32>
    tpu.vector_store %arg4[%swap3A_2007, %swap3A_2008], %add3A_2006 {strides = array<i32>} : memref<128x12800xf32, #tpu.memory_space<vmem>>, vector<128x128xf32>,
    %get3A_2010 = arith.constant 0 : index
    %get3A_2011 = arith.constant 12288 : index
    %get3A_2012 = vector.load %arg1[%get3A_2010, %get3A_2011] : memref<128x12800xf32, #tpu.memory_space<vmem>>, vector<128x128xf32>
    %convert_element_type3A_2013 = arith.truncf %get3A_2012 : vector<128x128xf32> to vector<128x128xbf16>
    %get3A_2014 = arith.constant 96 : index
    %get3A_2015 = arith.constant 0 : index
    %get3A_2016 = arith.constant 0 : index
    %get3A_2017 = vector.load %arg2[%get3A_2014, %get3A_2015, %get3A_2016] : memref<100x128x128xbf16, #tpu.memory_space<vmem>>, vector<1x128x128xbf16>
    %get3A_2018 = vector.shape_cast %get3A_2017 : vector<1x128x128xbf16> to vector<128x128xbf16>
    %dot_general3A_2019 = arith.constant dense<0.000000e+00> : vector<128x128xf32>
    %dot_general3A_2020 = tpu.matmul %convert_element_type3A_2013, %get3A_2018, %dot_general3A_2019 {dimension_numbers = #tpu.dot_dimension_numbers<[1], [0], [0], [1], [0, 0, 1, 1], [], []>, transpose_lhs_hint = false} : vector<128x128xbf16>, vector<128x128xbf16>, vector<128x128xf32> -> vector<128x128xf32>
    %get3A_2021 = arith.constant 96 : index
    %get3A_2022 = arith.constant 0 : index
    %get3A_2023 = vector.load %arg3[%get3A_2021, %get3A_2022] : memref<100x128xf32, #tpu.memory_space<vmem>>, vector<1x128xf32>
    %get3A_2024 = vector.shape_cast %get3A_2023 : vector<1x128xf32> to vector<128xf32>
    %broadcast_in_dim3A_2025 = vector.shape_cast %get3A_2024 : vector<128xf32> to vector<1x128xf32>
    %add3A_2026 = vector.broadcast %broadcast_in_dim3A_2025 : vector<1x128xf32> to vector<128x128xf32>
    %add3A_2027 = arith.addf %dot_general3A_2020, %add3A_2026 : vector<128x128xf32>
    %swap3A_2028 = arith.constant 0 : index
    %swap3A_2029 = arith.constant 12288 : index
    %swap3A_2030 = vector.load %arg4[%swap3A_2028, %swap3A_2029] : memref<128x12800xf32, #tpu.memory_space<vmem>>, vector<128x128xf32>
    tpu.vector_store %arg4[%swap3A_2028, %swap3A_2029], %add3A_2027 {strides = array<i32>} : memref<128x12800xf32, #tpu.memory_space<vmem>>, vector<128x128xf32>,
    %get3A_2031 = arith.constant 0 : index
    %get3A_2032 = arith.constant 12416 : index
    %get3A_2033 = vector.load %arg1[%get3A_2031, %get3A_2032] : memref<128x12800xf32, #tpu.memory_space<vmem>>, vector<128x128xf32>
    %convert_element_type3A_2034 = arith.truncf %get3A_2033 : vector<128x128xf32> to vector<128x128xbf16>
    %get3A_2035 = arith.constant 97 : index
    %get3A_2036 = arith.constant 0 : index
    %get3A_2037 = arith.constant 0 : index
    %get3A_2038 = vector.load %arg2[%get3A_2035, %get3A_2036, %get3A_2037] : memref<100x128x128xbf16, #tpu.memory_space<vmem>>, vector<1x128x128xbf16>
    %get3A_2039 = vector.shape_cast %get3A_2038 : vector<1x128x128xbf16> to vector<128x128xbf16>
    %dot_general3A_2040 = arith.constant dense<0.000000e+00> : vector<128x128xf32>
    %dot_general3A_2041 = tpu.matmul %convert_element_type3A_2034, %get3A_2039, %dot_general3A_2040 {dimension_numbers = #tpu.dot_dimension_numbers<[1], [0], [0], [1], [0, 0, 1, 1], [], []>, transpose_lhs_hint = false} : vector<128x128xbf16>, vector<128x128xbf16>, vector<128x128xf32> -> vector<128x128xf32>
    %get3A_2042 = arith.constant 97 : index
    %get3A_2043 = arith.constant 0 : index
    %get3A_2044 = vector.load %arg3[%get3A_2042, %get3A_2043] : memref<100x128xf32, #tpu.memory_space<vmem>>, vector<1x128xf32>
    %get3A_2045 = vector.shape_cast %get3A_2044 : vector<1x128xf32> to vector<128xf32>
    %broadcast_in_dim3A_2046 = vector.shape_cast %get3A_2045 : vector<128xf32> to vector<1x128xf32>
    %add3A_2047 = vector.broadcast %broadcast_in_dim3A_2046 : vector<1x128xf32> to vector<128x128xf32>
    %add3A_2048 = arith.addf %dot_general3A_2041, %add3A_2047 : vector<128x128xf32>
    %swap3A_2049 = arith.constant 0 : index
    %swap3A_2050 = arith.constant 12416 : index
    %swap3A_2051 = vector.load %arg4[%swap3A_2049, %swap3A_2050] : memref<128x12800xf32, #tpu.memory_space<vmem>>, vector<128x128xf32>
    tpu.vector_store %arg4[%swap3A_2049, %swap3A_2050], %add3A_2048 {strides = array<i32>} : memref<128x12800xf32, #tpu.memory_space<vmem>>, vector<128x128xf32>,
    %get3A_2052 = arith.constant 0 : index
    %get3A_2053 = arith.constant 12544 : index
    %get3A_2054 = vector.load %arg1[%get3A_2052, %get3A_2053] : memref<128x12800xf32, #tpu.memory_space<vmem>>, vector<128x128xf32>
    %convert_element_type3A_2055 = arith.truncf %get3A_2054 : vector<128x128xf32> to vector<128x128xbf16>
    %get3A_2056 = arith.constant 98 : index
    %get3A_2057 = arith.constant 0 : index
    %get3A_2058 = arith.constant 0 : index
    %get3A_2059 = vector.load %arg2[%get3A_2056, %get3A_2057, %get3A_2058] : memref<100x128x128xbf16, #tpu.memory_space<vmem>>, vector<1x128x128xbf16>
    %get3A_2060 = vector.shape_cast %get3A_2059 : vector<1x128x128xbf16> to vector<128x128xbf16>
    %dot_general3A_2061 = arith.constant dense<0.000000e+00> : vector<128x128xf32>
    %dot_general3A_2062 = tpu.matmul %convert_element_type3A_2055, %get3A_2060, %dot_general3A_2061 {dimension_numbers = #tpu.dot_dimension_numbers<[1], [0], [0], [1], [0, 0, 1, 1], [], []>, transpose_lhs_hint = false} : vector<128x128xbf16>, vector<128x128xbf16>, vector<128x128xf32> -> vector<128x128xf32>
    %get3A_2063 = arith.constant 98 : index
    %get3A_2064 = arith.constant 0 : index
    %get3A_2065 = vector.load %arg3[%get3A_2063, %get3A_2064] : memref<100x128xf32, #tpu.memory_space<vmem>>, vector<1x128xf32>
    %get3A_2066 = vector.shape_cast %get3A_2065 : vector<1x128xf32> to vector<128xf32>
    %broadcast_in_dim3A_2067 = vector.shape_cast %get3A_2066 : vector<128xf32> to vector<1x128xf32>
    %add3A_2068 = vector.broadcast %broadcast_in_dim3A_2067 : vector<1x128xf32> to vector<128x128xf32>
    %add3A_2069 = arith.addf %dot_general3A_2062, %add3A_2068 : vector<128x128xf32>
    %swap3A_2070 = arith.constant 0 : index
    %swap3A_2071 = arith.constant 12544 : index
    %swap3A_2072 = vector.load %arg4[%swap3A_2070, %swap3A_2071] : memref<128x12800xf32, #tpu.memory_space<vmem>>, vector<128x128xf32>
    tpu.vector_store %arg4[%swap3A_2070, %swap3A_2071], %add3A_2069 {strides = array<i32>} : memref<128x12800xf32, #tpu.memory_space<vmem>>, vector<128x128xf32>,
    %get3A_2073 = arith.constant 0 : index
    %get3A_2074 = arith.constant 12672 : index
    %get3A_2075 = vector.load %arg1[%get3A_2073, %get3A_2074] : memref<128x12800xf32, #tpu.memory_space<vmem>>, vector<128x128xf32>
    %convert_element_type3A_2076 = arith.truncf %get3A_2075 : vector<128x128xf32> to vector<128x128xbf16>
    %get3A_2077 = arith.constant 99 : index
    %get3A_2078 = arith.constant 0 : index
    %get3A_2079 = arith.constant 0 : index
    %get3A_2080 = vector.load %arg2[%get3A_2077, %get3A_2078, %get3A_2079] : memref<100x128x128xbf16, #tpu.memory_space<vmem>>, vector<1x128x128xbf16>
    %get3A_2081 = vector.shape_cast %get3A_2080 : vector<1x128x128xbf16> to vector<128x128xbf16>
    %dot_general3A_2082 = arith.constant dense<0.000000e+00> : vector<128x128xf32>
    %dot_general3A_2083 = tpu.matmul %convert_element_type3A_2076, %get3A_2081, %dot_general3A_2082 {dimension_numbers = #tpu.dot_dimension_numbers<[1], [0], [0], [1], [0, 0, 1, 1], [], []>, transpose_lhs_hint = false} : vector<128x128xbf16>, vector<128x128xbf16>, vector<128x128xf32> -> vector<128x128xf32>
    %get3A_2084 = arith.constant 99 : index
    %get3A_2085 = arith.constant 0 : index
    %get3A_2086 = vector.load %arg3[%get3A_2084, %get3A_2085] : memref<100x128xf32, #tpu.memory_space<vmem>>, vector<1x128xf32>
    %get3A_2087 = vector.shape_cast %get3A_2086 : vector<1x128xf32> to vector<128xf32>
    %broadcast_in_dim3A_2088 = vector.shape_cast %get3A_2087 : vector<128xf32> to vector<1x128xf32>
    %add3A_2089 = vector.broadcast %broadcast_in_dim3A_2088 : vector<1x128xf32> to vector<128x128xf32>
    %add3A_2090 = arith.addf %dot_general3A_2083, %add3A_2089 : vector<128x128xf32>
    %swap3A_2091 = arith.constant 0 : index
    %swap3A_2092 = arith.constant 12672 : index
    %swap3A_2093 = vector.load %arg4[%swap3A_2091, %swap3A_2092] : memref<128x12800xf32, #tpu.memory_space<vmem>>, vector<128x128xf32>
    tpu.vector_store %arg4[%swap3A_2091, %swap3A_2092], %add3A_2090 {strides = array<i32>} : memref<128x12800xf32, #tpu.memory_space<vmem>>, vector<128x128xf32>,
    return
  }
  func.func @transform_0(%arg0: i32) -> (i32, i32) {
    %c0_i32 = arith.constant 0 : i32
    %c0_i32_0 = arith.constant 0 : i32
    return %arg0, %c0_i32 : i32, i32
  }
  func.func @transform_1(%arg0: i32) -> (i32, i32, i32) {
    %c0_i32 = arith.constant 0 : i32
    %c0_i32_0 = arith.constant 0 : i32
    %c0_i32_1 = arith.constant 0 : i32
    %c0_i32_2 = arith.constant 0 : i32
    return %c0_i32, %c0_i32_0, %c0_i32_1 : i32, i32, i32
  }
  func.func @transform_2(%arg0: i32) -> (i32, i32) {
    %c0_i32 = arith.constant 0 : i32
    %c0_i32_0 = arith.constant 0 : i32
    %c0_i32_1 = arith.constant 0 : i32
    return %c0_i32, %c0_i32_0 : i32, i32
  }
  func.func @transform_3(%arg0: i32) -> (i32, i32) {
    %c0_i32 = arith.constant 0 : i32
    %c0_i32_0 = arith.constant 0 : i32
    return %arg0, %c0_i32 : i32, i32
  }
}

</mosaic_0001>

<sc_bundles>
// kernel: sparse-core-data-format-call.cloned.1.call-start
scs
called_computation_lowered:
.L_overlay_start_0:
0x0: {  	s2 =	sld [smem:$0x3FD9]  }
0x1: {  	s3 =	sld [smem:$0x3FFE];
	_ =	sdelay $0x1  }
0x2: {  	s1 =	srdreg.scid  }
0x3: {  	s0 =	sand.u32 $0x1, s1  }
0x4: {  	s18 =	sshll.u32 s0, $0xA;
	s2 =	sadd.s32 s3, s2  }
0x5: {  	s2 =	sadd.s32 s2, s18  }
0x6: {  	[smem:$0x3FC4] =	sst s2  }
0x7: {  	_ = 	snop  }
0x8: {  	s2 =	sld [smem:$0x3FD0];
	(tm) =	ssettm $0x1  }
0x9: {  	s19 =	sld [smem:$0x3FFB];
	_ =	sdelay $0x3  }
0xa: {  	_ =	strace s19  }
0xb: {  	s3 =	sld [smem:$0x3FFC];
	_ =	sdelay $0x3  }
0xc: {  	_ =	strace s3  }
0xd: {  	s3 =	sld [smem:$0x3FFD];
	_ =	sdelay $0x3  }
0xe: {  	_ =	strace s3  }
0xf: {  	_ =	strace $0x8FFFFFFF  }
0x10: {  	s20 =	sld [smem:$0x3FDB];
	_ =	sdelay $0x1  }
0x11: {  	s4 =	simm.s32 $_scs_section_size  }
0x12: {  	s5 =	simm.s32 $_size__tile_overlayer_lowered;
	s6 =	simm.s32 $_tile_overlayer_lowered  }
0x13: {  	s23 =	simm.s32 $0x1BFF;
	s22 =	sshll.u32 s6, $0x1;
	s3 =	sadd.s32 s4, s20  }
0x14: {  	s7 =	simm.s32 $0x0;
	s21 =	sshll.u32 s5, $0x1;
	s5 =	sadd.s32 s22, s3  }
0x15: {  	[timem:s7], [sflag:s23] =	dma.local [hbm:s5], s21  }
0x16: {  	_ =	swait.ge [sflag:s23], s21  }
0x17: {  	s4 =	ssub.s32 $0x0, s21;
	[sflag:s23] =	ssyncset.done $0x0  }
0x18: {  	[sflag:s23] =	ssyncadd.s32 s4;
	_ =	sdelay $0x1  }
0x19: {  	s24 =	simm.s32 $0x1B8B  }
0x1a: {  	_ =	swait.ge [sflag:s24], $0x1  }
0x1b: {  	[sflag:s24] =	ssyncset.done $0x0  }
0x1c: {  	s26 =	simm.s32 $0x1B8E;
	s25 =	sld [smem:$0x3FFE];
	[sflag:s24] =	ssyncadd.s32 $0xFFFFFFFF  }
0x1d: {  	s27 =	simm.s32 $execute0_lowered;
	[smem:$0x3FD2] =	sst s26  }
0x1e: {  	s5 =	sshll.u32 s27, $0x1;
	_ =	strace $0x80000046;
	[dreg:$0x1] =	wrdreg $0xFFFFFFFF  }
0x1f: {  	s28 =	simm.s32 $_size_execute0_lowered;
	s3 =	sadd.s32 s3, s5;
	[dreg:$0x0] =	wrdreg $0x0  }
0x20: {  	s5 =	sshll.u32 s28, $0x1;
	[dreg:$0x2] =	wrdreg s3  }
0x21: {  	[dreg:$0x3] =	wrdreg s5  }
0x22: {  	[dreg:$0x4] =	wrdreg $0xC0  }
0x23: {  	_ =	task [dreg:s7], $0x5FFFF  }
0x24: {  	[dreg:$0x1] =	wrdreg $0xFFFFFFFF  }
0x25: {  	[dreg:$0x0] =	wrdreg $0x60  }
0x26: {  	[dreg:$0x2] =	wrdreg s25  }
0x27: {  	[dreg:$0x3] =	wrdreg s2  }
0x28: {  	[dreg:$0x4] =	wrdreg $0x9  }
0x29: {  	_ =	task.clear_ibuf [dreg:s7], $0x5FFFF;
	_ =	strace $0x90000046  }
0x2a: {  	s29 =	simm.s32 $0x9;
	_ =	strace $0x80000048  }
0x2b: {  	_ =	swait.ge [sflag:s29], $0x1  }
0x2c: {  	[sflag:s29] =	ssyncadd.s32 $0xFFFFFFFF  }
0x2d: {  	_ =	strace $0x90000048  }
0x2e: {  	_ =	sfence  }
0x2f: {  	s30 =	sld [smem:$0x0];
	_ =	sdelay $0x2  }
0x30: {  	s31 =	sshll.u32 s1, $0xD;
	s1 =	sshrl.u32 s1, $0x2  }
0x31: {  	s3 =	sand.u32 $0x4000, s31;
	s1 =	sadd.s32 s1, s30  }
0x32: {  	s0 =	sor.u32 s3, s0;
	s1 =	sshll.u32 s1, $0x11  }
0x33: {  	s0 =	sor.u32 s1, s0  }
0x34: {  	s0 =	sadd.s32 $0x8F2B, s0  }
0x35: {  	[sflag:s0] =	ssyncadd.remote.s32 $0x1  }
0x36: {  	_ =	sfence.sel $0xFFFF  }
0x37: {  	[dreg:$0x0] =	wrdreg $0xFFFFFFFF;
	(pc) =	sbr.abs _section_cstart, $3  }
0x38: {  	[dreg:$0x1] =	wrdreg $0xFFFFFFFF  }
0x39: {  	_ =	task.clear_ibuf [dreg:s7], $0x2FFFF;
	_ =	strace $0x9FFFFFFF  }
0x3a: {  	(tm) =	ssettm $0x7FFFFFFF  }
0x3b: {  	_ =	shalt  }
tec
execute0_lowered:
.L_overlay_start_1:
0x0: {  	(tag) =	ssettag $0x1  }
0x1: {  	s0 =	srdreg.scid  }
0x2: {  	s1 =	sshll.u32 s0, $0x4  }
0x3: {  	s0 =	stileid.u32;
	s1 =	sand.u32 $0x10, s1  }
0x4: {  	s1 =	sor.u32 s0, s1  }
0x5: {  	s6 =	rddreg [dreg:$0x0];
	s4 =	simm.s32 $0x1;
	s2 =	sshll.u32 s1, $0x7  }
0x6: {  	s7 =	simm.s32 $0x2;
	s8 =	simm.s32 $0x0;
	s1 =	ssub.s32 $0x1000, s2  }
0x7: {  	s12 =	simm.s32 $0x0;
	s11 =	simm.s32 $0x0;
	s3 =	sand.u32 $0xF80, s1  }
0x8: {  	s9 =	simm.s32 $0x0;
	s5 =	sshrl.u32 s1, $0xC;
	p0 =	sne.s32 s3, $0x0  }
.Ltmp0:
0x9: {  	s1 =	rddreg [dreg:$0x2];
	s4 =	simm.s32 @!p0 $0x0;
	(pc) =	sbr.rel .LBB1_1-.Ltmp0, $4  }
0xa: {  	s6 =	sadd.s32 s2, s6;
	s3 =	rddreg [dreg:$0x1];
	s5 =	sadd.s32 s4, s5  }
0xb: {  	_ =	strace $0x80000047;
	s4 =	simm.s32 $0x1;
	s5 =	smul.u32 $0x64, s5  }
0xc: {  	s10 =	simm.s32 $0x0;
	s6 =	sadd.s32 $0xE00, s6;
	[sflag:s4] =	ssyncpa.u1 $0x0  }
0xd: {  	p0 =	por $0x0, $0x0;
	[sflag:s7] =	ssyncpa.u1 $0x0;
	s7 =	sor.u32 $0x1, s5  }
.LBB1_4:
0xe: {  	v5 =	vld [tilespmem:s16+$0xFFFFFFD0];
	[tilespmem:s15+$0x2040 ss:$0x81] =	vst.msk $0xffff, v1  }
0xf: {  	v58 =	vld [tilespmem:s16+$0xFFFFFFE0];
	[tilespmem:s15+$0x2850 ss:$0x81] =	vst.msk $0xffff, v2  }
0x10: {  	s17 =	sshra.s32 s17, $0x2;
	v59 =	vld [tilespmem:s16+$0xFFFFFFF0];
	[tilespmem:s15+$0x3060 ss:$0x81] =	vst.msk $0xffff, v3  }
0x11: {  	v60 =	vld [tilespmem:s16+$0x0];
	[tilespmem:s15+$0x0 ss:$0x81] =	vst.msk $0xffff, v0;
	s14 =	sadd.s32 s17, s14  }
0x12: {  	v61 =	vld [tilespmem:s16+$0x10];
	[tilespmem:s14+$0x3870 ss:$0x81] =	vst.msk $0xffff, v4  }
0x13: {  	v62 =	vld [tilespmem:s16+$0x20];
	[tilespmem:s14+$0x810 ss:$0x81] =	vst.msk $0xffff, v5  }
0x14: {  	v63 =	vld [tilespmem:s16+$0xFFFFFFC0];
	[tilespmem:s14+$0x1020 ss:$0x81] =	vst.msk $0xffff, v58  }
0x15: {  	[tilespmem:s14+$0x1830 ss:$0x81] =	vst.msk $0xffff, v59  }
0x16: {  	[tilespmem:s14+$0x2040 ss:$0x81] =	vst.msk $0xffff, v60  }
0x17: {  	s12 =	sshll.u32 s12, $0x4;
	s11 =	sshll.u32 s11, $0x10;
	[tilespmem:s14+$0x2850 ss:$0x81] =	vst.msk $0xffff, v61  }
0x18: {  	s12 =	sand.u32 $0xF800, s12;
	s11 =	sadd.s32 s3, s11;
	[tilespmem:s14+$0x3060 ss:$0x81] =	vst.msk $0xffff, v62  }
0x19: {  	s11 =	sadd.s32 s12, s11;
	[tilespmem:s14+$0x0 ss:$0x81] =	vst.msk $0xffff, v63  }
0x1a: {  	[hbm4b:s11+s8] =	stream.linear.scatter [tilespmem:s13], [sflag:$0x2], $0x4000, $0x20;
	[tilespmem:$0x10100] =	vst v63  }
.LBB1_5:
0x1b: {  	s13 =	sadd.s32 $0x1, s9  }
0x1c: {  	p2 =	sgt.s32 s13, $0x63  }
0x1d: {  	s13 =	simm.s32 @p2 $0x0;
	p2 =	sne.s32 s10, s7  }
.Ltmp1:
0x1e: {  	p1 =	slt.u32 s10, $0x2;
	(pc) =	sbr.rel @!p2 .LBB1_6-.Ltmp1, $4  }
0x1f: {  	s12 =	simm.s32 @!p1 $0x2  }
0x20: {  	s14 =	sadd.s32 $0x1, s10;
	s11 =	smov.u32 s9;
	_ =	swait.ge @!p1 [sflag:s12], $0x4000  }
0x21: {  	p0 =	por !p0, !p0;
	s10 =	smov.u32 s14;
	[sflag:s12] =	ssyncset.done @!p1 $0x0  }
0x22: {  	s9 =	smov.u32 s13;
	[sflag:s12] =	ssyncadd.s32 @!p1 $0xFFFFC000;
	s12 =	smov.u32 s2  }
.LBB1_1:
0x23: {  	p1 =	sge.u32 s10, s5  }
0x24: {  	s31 =	sadd.s32 $0xFFFFFFFF, s10;
	s13 =	sxor.u32 @!p1 $0xFFFFFFFF, s10  }
0x25: {  	s14 =	sshll.u32 @!p1 s9, $0x10;
	s15 =	simm.s32 @!p1 $0x400;
	s13 =	sshll.u32 @!p1 s13, $0xE  }
0x26: {  	s16 =	simm.s32 @!p1 $0x8000;
	s14 =	sadd.s32 @!p1 s14, s6;
	s13 =	sand.u32 @!p1 $0x4000, s13  }
0x27: {  	[tilespmem:s13], [sflag:$0x1] =	stream.strided.gather @!p1 [hbm4b:s14+s15], $0x4000, s16, s15, $0x38;
	[tilespmem:$0x10100] =	vst v63  }
0x28: {  	p1 =	sge.u32 s31, s5  }
.Ltmp2:
0x29: {  	_ = 	snop;
	(pc) =	sbr.rel @p1 .LBB1_5-.Ltmp2, $1  }
0x2a: {  	_ =	sdelay $0x3  }
0x2b: {  	s13 =	simm.s32 $0x1  }
0x2c: {  	_ =	swait.ge [sflag:s4], $0x4000;
	s13 =	simm.s32 @!p0 $0x0  }
0x2d: {  	[sflag:s4] =	ssyncset.done $0x0;
	s14 =	sshll.u32 s13, $0xE  }
0x2e: {  	[sflag:s4] =	ssyncadd.s32 $0xFFFFC000;
	s16 =	sor.u32 $0x40, s14  }
0x2f: {  	s13 =	smul.u32 $0x10200, s13;
	v0 =	vld [tilespmem:s16+$0x30]  }
0x30: {  	v3 =	vld [tilespmem:s16+$0xFFFFFFD0]  }
0x31: {  	s13 =	sshrl.u32 s13, $0x2;
	v4 =	vld [tilespmem:s16+$0xFFFFFFE0]  }
0x32: {  	v5 =	vld [tilespmem:s16+$0xFFFFFFF0];
	s14 =	sor.u32 $0x8000, s13  }
0x33: {  	s31 =	sand.u32 $0x1, s10;
	v1 =	vld [tilespmem:s16+$0x0];
	s15 =	sadd.s32 $0x0, s14  }
0x34: {  	v2 =	vld [tilespmem:s16+$0x10];
	s13 =	smul.u32 $0x10200, s31;
	[tilespmem:s15+$0x3870 ss:$0x81] =	vst.msk $0xffff, v0  }
0x35: {  	[tilespmem:s15+$0x810 ss:$0x81] =	vst.msk $0xffff, v3;
	v3 =	vld [tilespmem:s16+$0x20]  }
0x36: {  	s13 =	sshrl.u32 s13, $0x2;
	v0 =	vld [tilespmem:s16+$0xFFFFFFC0];
	[tilespmem:s15+$0x1020 ss:$0x81] =	vst.msk $0xffff, v4;
	s16 =	sadd.s32 $0x80, s16  }
0x37: {  	s17 =	simm.s32 $0x4;
	s18 =	simm.s32 $0x8;
	s13 =	sor.u32 $0x8000, s13;
	[tilespmem:s15+$0x1830 ss:$0x81] =	vst.msk $0xffff, v5;
	v4 =	vld [tilespmem:s16+$0x30]  }
.LBB1_3:
0x38: {  	p1 =	sne.s32 s18, $0x1FC;
	v5 =	vld [tilespmem:s16+$0xFFFFFFD0];
	[tilespmem:s15+$0x2040 ss:$0x81] =	vst.msk $0xffff, v1  }
0x39: {  	v6 =	vld [tilespmem:s16+$0xFFFFFFE0];
	[tilespmem:s15+$0x2850 ss:$0x81] =	vst.msk $0xffff, v2  }
0x3a: {  	s19 =	sshra.s32 s17, $0x2;
	s17 =	smov.u32 s18;
	v7 =	vld [tilespmem:s16+$0xFFFFFFF0];
	[tilespmem:s15+$0x3060 ss:$0x81] =	vst.msk $0xffff, v3  }
.Ltmp3:
0x3b: {  	v1 =	vld [tilespmem:s16+$0x0];
	[tilespmem:s15+$0x0 ss:$0x81] =	vst.msk $0xffff, v0;
	s15 =	sadd.s32 s19, s14;
	(pc) =	sbr.rel @p1 .LBB1_3-.Ltmp3, $4  }
0x3c: {  	v2 =	vld [tilespmem:s16+$0x10];
	[tilespmem:s15+$0x3870 ss:$0x81] =	vst.msk $0xffff, v4  }
0x3d: {  	[tilespmem:s15+$0x810 ss:$0x81] =	vst.msk $0xffff, v5;
	v3 =	vld [tilespmem:s16+$0x20]  }
0x3e: {  	v0 =	vld [tilespmem:s16+$0xFFFFFFC0];
	[tilespmem:s15+$0x1020 ss:$0x81] =	vst.msk $0xffff, v6;
	s16 =	sadd.s32 $0x80, s16  }
0x3f: {  	s18 =	sadd.s32 $0x4, s18;
	v4 =	vld [tilespmem:s16+$0x30];
	[tilespmem:s15+$0x1830 ss:$0x81] =	vst.msk $0xffff, v7  }
.Ltmp4:
0x40: {  	_ = 	snop;
	(pc) =	sbr.rel .LBB1_4-.Ltmp4, $1  }
0x41: {  	_ =	sdelay $0x3  }
.LBB1_6:
0x42: {  	_ =	sfence.sel $0x180000  }
0x43: {  	s2 =	simm.s32 $0x1;
	[bflag:$0x0] =	sbarrier.arrive $0xFFFF  }
0x44: {  	s31 =	simm.s32 $0x2;
	[sflag:s2] =	ssyncpa.u1 $0x1  }
0x45: {  	[sflag:s31] =	ssyncpa.u1 $0x1  }
0x46: {  	p0 =	sne.s32 s0, $0x0;
	_ =	strace $0x90000047  }
0x47: {  	s0 =	sadd.s32 @!p0 $0x100000, s1;
	[bflag:$0x2] =	sbarrier.arrive $0xFFFF  }
0x48: {  	[sflag:s0] =	ssyncadd.tile.s32 @!p0 $0x1;
	_ =	shalt  }
.Lfunc_end1:
_tile_overlayer_lowered:
.L_overlay_start_2:
0x49: {  	(tag) =	ssettag $0x2  }
0x4a: {  	s0 =	rddreg [dreg:$0x0];
	s2 =	stileid.u32  }
0x4b: {  	s1 =	rddreg [dreg:$0x1];
	p0 =	sne.s32 s2, $0x0  }
0x4c: {  	s3 =	rddreg [dreg:$0x2];
	[bflag:$0x3] =	sbarrier.arrive $0xFFFF;
	s2 =	simm.s32 @!p0 $0x1C01  }
0x4d: {  	[timem:s3], [sflag:s2] =	dma.local @!p0 [hbm:s0], s1  }
0x4e: {  	s0 =	simm.s32 @!p0 $0x1  }
0x4f: {  	_ =	swait.ge @!p0 [sflag:s0], s1  }
0x50: {  	s1 =	ssub.s32 @!p0 $0x0, s1;
	[sflag:s0] =	ssyncset.done @!p0 $0x0  }
0x51: {  	[sflag:s0] =	ssyncadd.s32 @!p0 s1  }
0x52: {  	[bflag:$0x3] =	sbarrier.arrive $0xFFFF  }
0x53: {  	_ =	shalt  }

</sc_bundles>
